<compile_context>
chip_gen: v7x
topology: tpu7x:2x2x1
jax: 0.10.2.dev20260603
libtpu: 0.0.44.dev20260713+nightly
codegen_flags: <defaults>
</compile_context>

<pallas_src>
import jax
import jax.numpy as jnp
from jax import lax
from jax.experimental import pallas as pl
from jax.experimental.pallas import tpu as pltpu
from jax.experimental.pallas import tpu_sc as plsc

B = 16384
D = 33
K = 32
NF = 26
GW = 128
ICOL = 40

NC = 2
NS = 16
NW = NC * NS
BPW = B // NW
NGRP = BPW // 16
DRAIN = (2 * BPW * D) // GW


def _fm_sc_body(u_hbm, i_hbm, user_hbm, item_hbm, gq_hbm,
                uidx_v, iidx_v, buf, sem):
    wid = lax.axis_index("s") * NC + lax.axis_index("c")
    base = wid * BPW

    pltpu.sync_copy(u_hbm.at[wid], uidx_v)
    pltpu.sync_copy(i_hbm.at[wid], iidx_v)

    def fire(g, carry):
        vu = uidx_v[pl.ds(g * 16, 16)]
        vi = iidx_v[pl.ds(g * 16, 16)]
        for j in range(16):
            r = g * 16 + j
            pltpu.async_copy(user_hbm.at[vu[j]], buf.at[r, pl.ds(0, D)], sem)
            pltpu.async_copy(item_hbm.at[vi[j]], buf.at[r, pl.ds(ICOL, D)], sem)
        return carry

    lax.fori_loop(0, NGRP, fire, 0)
    pltpu.make_async_copy(
        gq_hbm.at[pl.ds(0, DRAIN)], buf.at[pl.ds(0, DRAIN)], sem).wait()

    pltpu.sync_copy(buf, gq_hbm.at[pl.ds(base, BPW)])


def _fm_sc(u2, i2, user_emb, item_emb):
    mesh = plsc.VectorSubcoreMesh(core_axis_name="c", subcore_axis_name="s")
    sc = pl.kernel(
        _fm_sc_body,
        out_type=jax.ShapeDtypeStruct((B, GW), jnp.float32),
        mesh=mesh,
        scratch_types=[
            pltpu.VMEM((BPW,), jnp.int32),
            pltpu.VMEM((BPW,), jnp.int32),
            pltpu.VMEM((BPW, GW), jnp.float32),
            pltpu.SemaphoreType.DMA,
        ],
    )
    return sc(u2, i2, user_emb, item_emb)


def _combine_kernel(gq_ref, feats_ref, femb_ref, w0_ref, out_ref):
    f = feats_ref[...]
    v = femb_ref[...]
    d1 = jnp.dot(f, v, preferred_element_type=jnp.float32)
    fvec = d1[:, :K]
    fw = d1[:, K]
    vf = v[:, :K]
    vq = jnp.sum(vf * vf, axis=1, keepdims=True)
    qf = jnp.dot(f * f, vq, preferred_element_type=jnp.float32)[:, 0]
    uv = gq_ref[:, :K]
    uw = gq_ref[:, K]
    iv = gq_ref[:, ICOL:ICOL + K]
    iw = gq_ref[:, ICOL + K]
    s = uv + iv + fvec
    vt = 0.5 * (jnp.sum(s * s - uv * uv - iv * iv, axis=1) - qf)
    out_ref[...] = w0_ref[0, 0] + uw + iw + fw + vt


def _combine(gq, feats, feat_emb, w0):
    blk = 2048
    return pl.pallas_call(
        _combine_kernel,
        grid=(B // blk,),
        out_shape=jax.ShapeDtypeStruct((B,), jnp.float32),
        in_specs=[
            pl.BlockSpec((blk, GW), lambda j: (j, 0)),
            pl.BlockSpec((blk, NF), lambda j: (j, 0)),
            pl.BlockSpec((NF, D), lambda j: (0, 0)),
            pl.BlockSpec(memory_space=pltpu.SMEM),
        ],
        out_specs=pl.BlockSpec((blk,), lambda j: (j,)),
    )(gq, feats, feat_emb, w0.reshape(1, 1))


@jax.jit
def _fm(u2, i2, feats, user_emb, item_emb, feat_emb, w0):
    gq = _fm_sc(u2, i2, user_emb, item_emb)
    return _combine(gq, feats, feat_emb, w0)


def kernel(u, i, feats, user_emb, item_emb, feat_emb, w0):
    u2 = u.reshape(NW, BPW).astype(jnp.int32)
    i2 = i.reshape(NW, BPW).astype(jnp.int32)
    return _fm(u2, i2, feats, user_emb, item_emb, feat_emb, w0)

# --- scband reference (transcript-rebuilt; emitter-appended) ---
"""Pipeline reference for scband-factorization-machine-3745211482211 (READ-ONLY COPY).

The authoritative reference and input builder live on the scoring server;
editing this copy changes nothing except your own understanding.
"""

import jax, jax.numpy as jnp
import numpy as np

N_USERS = 1000000
N_ITEMS = 1000000
N_FEAT = 26
K = 32
B = 16384
INIT = 0.001


def setup_inputs(seed: int = 0) -> dict:
    key = jax.random.key(seed)
    ks = jax.random.split(key, 6)
    u = jax.random.randint(ks[0], (B, 1), 0, N_USERS)
    i = jax.random.randint(ks[1], (B, 1), 0, N_ITEMS)
    feats = jax.random.uniform(ks[2], (B, N_FEAT), dtype=jnp.float32)
    user_emb = jax.random.normal(ks[3], (N_USERS, K + 1), dtype=jnp.float32) * INIT
    item_emb = jax.random.normal(ks[4], (N_ITEMS, K + 1), dtype=jnp.float32) * INIT
    feat_emb = jax.random.normal(ks[5], (N_FEAT, K + 1), dtype=jnp.float32) * INIT
    w0 = jnp.zeros((1,), dtype=jnp.float32)
    return {"u": u, "i": i, "feats": feats, "user_emb": user_emb,
            "item_emb": item_emb, "feat_emb": feat_emb, "w0": w0}


def reference(u, i, feats, user_emb, item_emb, feat_emb, w0):
    # embedding lookups (gather)
    user = jnp.take(user_emb, u, axis=0)          # [B, 1, K+1]
    item = jnp.take(item_emb, i, axis=0)          # [B, 1, K+1]
    # dense feature branch: weight[None] * feats[..., None]
    feat = feat_emb[None] * feats[..., None]      # [B, N_FEAT, K+1]
    # linear terms (last column) and factor terms (first K columns)
    w = jnp.concatenate([user[..., -1], item[..., -1], feat[..., -1]], axis=1)      # [B, 2+N_FEAT]
    v = jnp.concatenate([user[..., :-1], item[..., :-1], feat[..., :-1]], axis=1)   # [B, 2+N_FEAT, K]
    w_sum = w.sum(axis=1)
    v_term = ((v.sum(axis=1) ** 2 - (v ** 2).sum(axis=1)).sum(axis=-1)) * 0.5
    s = w0[0] + w_sum + v_term
    return s

if __name__ == "__main__":
    import jax
    _d = setup_inputs()
    print(jax.jit(kernel)(*tuple(_d.values())))

</pallas_src>

<mosaic_0001>
#map = affine_map<(d0, d1) -> (0, 0)>
module attributes {stable_mosaic.version = 14 : i64} {
  func.func @_fm_sc_body(%arg0: i32, %arg1: i32, %arg2: memref<32x512xi32, #tpu.memory_space<hbm>>, %arg3: memref<32x512xi32, #tpu.memory_space<hbm>>, %arg4: memref<1000000x33xf32, #tpu.memory_space<hbm>>, %arg5: memref<1000000x33xf32, #tpu.memory_space<hbm>>, %arg6: memref<16384x128xf32, #tpu.memory_space<hbm>>, %arg7: memref<512xi32, #tpu.memory_space<vmem>>, %arg8: memref<512xi32, #tpu.memory_space<vmem>>, %arg9: memref<512x128xf32, #tpu.memory_space<vmem>>, %arg10: memref<!tpu.dma_semaphore, #tpu.memory_space<semaphore_mem>>) attributes {dimension_semantics = [#tpu.dimension_semantics<core_parallel>, #tpu.dimension_semantics<subcore_parallel>], iteration_bounds = array<i64: 2, 16>, scalar_prefetch = 0 : i64, scratch_operands = 4 : i64, tpu.core_type = #tpu.core_type<sc_vector_subcore>, window_params = [{transform_indices = #map}, {transform_indices = #map}, {transform_indices = #map}, {transform_indices = #map}, {transform_indices = #map}]} {
    %mul3A = arith.constant 2 : i32
    %mul3A_0 = arith.muli %arg1, %mul3A : i32
    %add3A = arith.addi %mul3A_0, %arg0 : i32
    %mul3A_1 = arith.constant 512 : i32
    %mul3A_2 = arith.muli %add3A, %mul3A_1 : i32
    "tpu.region"() ({
      %run_scoped3A = tpu.sem_alloc : memref<!tpu.dma_semaphore, #tpu.memory_space<semaphore_mem>>
      %dma_start3A = arith.constant 0 : i32
      %dma_start3A_19 = tpu.memref_slice %arg2[%add3A, %dma_start3A] : memref<32x512xi32, #tpu.memory_space<hbm>> -> memref<1x512xi32, #tpu.memory_space<hbm>>
      %dma_start3A_20 = tpu.memref_squeeze %dma_start3A_19 : memref<1x512xi32, #tpu.memory_space<hbm>> -> memref<512xi32, #tpu.memory_space<hbm>>
      %dma_start3A_21 = arith.constant 0 : i32
      %dma_start3A_22 = tpu.memref_slice %arg2[%add3A, %dma_start3A_21] : memref<32x512xi32, #tpu.memory_space<hbm>> -> memref<1x512xi32, #tpu.memory_space<hbm>>
      %dma_start3A_23 = tpu.memref_squeeze %dma_start3A_22 : memref<1x512xi32, #tpu.memory_space<hbm>> -> memref<512xi32, #tpu.memory_space<hbm>>
      tpu.enqueue_dma source(%dma_start3A_23 : memref<512xi32, #tpu.memory_space<hbm>>) target(%arg7 : memref<512xi32, #tpu.memory_space<vmem>>) target_semaphore(%run_scoped3A : memref<!tpu.dma_semaphore, #tpu.memory_space<semaphore_mem>>)
      %dma_wait3A_24 = arith.constant 0 : i32
      %dma_wait3A_25 = tpu.memref_slice %arg2[%add3A, %dma_wait3A_24] : memref<32x512xi32, #tpu.memory_space<hbm>> -> memref<1x512xi32, #tpu.memory_space<hbm>>
      %dma_wait3A_26 = tpu.memref_squeeze %dma_wait3A_25 : memref<1x512xi32, #tpu.memory_space<hbm>> -> memref<512xi32, #tpu.memory_space<hbm>>
      %dma_wait3A_27 = arith.constant 0 : i32
      %dma_wait3A_28 = tpu.memref_slice %arg2[%add3A, %dma_wait3A_27] : memref<32x512xi32, #tpu.memory_space<hbm>> -> memref<1x512xi32, #tpu.memory_space<hbm>>
      %dma_wait3A_29 = tpu.memref_squeeze %dma_wait3A_28 : memref<1x512xi32, #tpu.memory_space<hbm>> -> memref<512xi32, #tpu.memory_space<hbm>>
      tpu.wait_dma2 semaphore(%run_scoped3A : memref<!tpu.dma_semaphore, #tpu.memory_space<semaphore_mem>>) src(%dma_wait3A_29 : memref<512xi32, #tpu.memory_space<hbm>>) dst(%arg7 : memref<512xi32, #tpu.memory_space<vmem>>)
      tpu.yield
    }) : () -> ()
    "tpu.region"() ({
      %run_scoped3A = tpu.sem_alloc : memref<!tpu.dma_semaphore, #tpu.memory_space<semaphore_mem>>
      %dma_start3A = arith.constant 0 : i32
      %dma_start3A_19 = tpu.memref_slice %arg3[%add3A, %dma_start3A] : memref<32x512xi32, #tpu.memory_space<hbm>> -> memref<1x512xi32, #tpu.memory_space<hbm>>
      %dma_start3A_20 = tpu.memref_squeeze %dma_start3A_19 : memref<1x512xi32, #tpu.memory_space<hbm>> -> memref<512xi32, #tpu.memory_space<hbm>>
      %dma_start3A_21 = arith.constant 0 : i32
      %dma_start3A_22 = tpu.memref_slice %arg3[%add3A, %dma_start3A_21] : memref<32x512xi32, #tpu.memory_space<hbm>> -> memref<1x512xi32, #tpu.memory_space<hbm>>
      %dma_start3A_23 = tpu.memref_squeeze %dma_start3A_22 : memref<1x512xi32, #tpu.memory_space<hbm>> -> memref<512xi32, #tpu.memory_space<hbm>>
      tpu.enqueue_dma source(%dma_start3A_23 : memref<512xi32, #tpu.memory_space<hbm>>) target(%arg8 : memref<512xi32, #tpu.memory_space<vmem>>) target_semaphore(%run_scoped3A : memref<!tpu.dma_semaphore, #tpu.memory_space<semaphore_mem>>)
      %dma_wait3A_24 = arith.constant 0 : i32
      %dma_wait3A_25 = tpu.memref_slice %arg3[%add3A, %dma_wait3A_24] : memref<32x512xi32, #tpu.memory_space<hbm>> -> memref<1x512xi32, #tpu.memory_space<hbm>>
      %dma_wait3A_26 = tpu.memref_squeeze %dma_wait3A_25 : memref<1x512xi32, #tpu.memory_space<hbm>> -> memref<512xi32, #tpu.memory_space<hbm>>
      %dma_wait3A_27 = arith.constant 0 : i32
      %dma_wait3A_28 = tpu.memref_slice %arg3[%add3A, %dma_wait3A_27] : memref<32x512xi32, #tpu.memory_space<hbm>> -> memref<1x512xi32, #tpu.memory_space<hbm>>
      %dma_wait3A_29 = tpu.memref_squeeze %dma_wait3A_28 : memref<1x512xi32, #tpu.memory_space<hbm>> -> memref<512xi32, #tpu.memory_space<hbm>>
      tpu.wait_dma2 semaphore(%run_scoped3A : memref<!tpu.dma_semaphore, #tpu.memory_space<semaphore_mem>>) src(%dma_wait3A_29 : memref<512xi32, #tpu.memory_space<hbm>>) dst(%arg8 : memref<512xi32, #tpu.memory_space<vmem>>)
      tpu.yield
    }) : () -> ()
    %scan3A = arith.constant 0 : i32
    %scan3A_3 = arith.constant 0 : i32
    %scan3A_4 = arith.constant 32 : i32
    %scan3A_5 = arith.addi %scan3A_3, %scan3A_4 : i32
    %scan3A_6 = arith.constant 1 : i32
    scf.for %scan3A_19 = %scan3A_3 to %scan3A_5 step %scan3A_6  : i32 {
      %mul3A_20 = arith.constant 16 : i32
      %mul3A_21 = arith.muli %scan3A_19, %mul3A_20 : i32
      %get3A = arith.index_cast %mul3A_21 : i32 to index
      %get3A_22 = tpu.vector_load %arg7[%get3A] {strides = array<i32>} : memref<512xi32, #tpu.memory_space<vmem>>, vector<16xi32>,
      %get3A_23 = vector.shape_cast %get3A_22 : vector<16xi32> to vector<16xi32>
      %mul3A_24 = arith.constant 16 : i32
      %mul3A_25 = arith.muli %scan3A_19, %mul3A_24 : i32
      %get3A_26 = arith.index_cast %mul3A_25 : i32 to index
      %get3A_27 = tpu.vector_load %arg8[%get3A_26] {strides = array<i32>} : memref<512xi32, #tpu.memory_space<vmem>>, vector<16xi32>,
      %get3A_28 = vector.shape_cast %get3A_27 : vector<16xi32> to vector<16xi32>
      %mul3A_29 = arith.constant 16 : i32
      %mul3A_30 = arith.muli %scan3A_19, %mul3A_29 : i32
      %add3A_31 = arith.constant 0 : i32
      %add3A_32 = arith.addi %mul3A_30, %add3A_31 : i32
      %slice3A = vector.extract_strided_slice %get3A_23 {offsets = [0], sizes = [1], strides = [1]} : vector<16xi32> to vector<1xi32>
      %squeeze3A = vector.extract %slice3A[0] : i32 from vector<1xi32>
      %dma_start3A = arith.constant 0 : i32
      %dma_start3A_33 = tpu.memref_slice %arg9[%add3A_32, %dma_start3A] : memref<512x128xf32, #tpu.memory_space<vmem>> -> memref<1x33xf32, #tpu.memory_space<vmem>>
      %dma_start3A_34 = tpu.memref_squeeze %dma_start3A_33 : memref<1x33xf32, #tpu.memory_space<vmem>> -> memref<33xf32, #tpu.memory_space<vmem>>
      %dma_start3A_35 = arith.constant 0 : i32
      %dma_start3A_36 = tpu.memref_slice %arg4[%squeeze3A, %dma_start3A_35] : memref<1000000x33xf32, #tpu.memory_space<hbm>> -> memref<1x33xf32, #tpu.memory_space<hbm>>
      %dma_start3A_37 = tpu.memref_squeeze %dma_start3A_36 : memref<1x33xf32, #tpu.memory_space<hbm>> -> memref<33xf32, #tpu.memory_space<hbm>>
      %dma_start3A_38 = arith.constant 0 : i32
      %dma_start3A_39 = tpu.memref_slice %arg9[%add3A_32, %dma_start3A_38] : memref<512x128xf32, #tpu.memory_space<vmem>> -> memref<1x33xf32, #tpu.memory_space<vmem>>
      %dma_start3A_40 = tpu.memref_squeeze %dma_start3A_39 : memref<1x33xf32, #tpu.memory_space<vmem>> -> memref<33xf32, #tpu.memory_space<vmem>>
      %dma_start3A_41 = arith.constant 0 : i32
      %dma_start3A_42 = tpu.memref_slice %arg4[%squeeze3A, %dma_start3A_41] : memref<1000000x33xf32, #tpu.memory_space<hbm>> -> memref<1x33xf32, #tpu.memory_space<hbm>>
      %dma_start3A_43 = tpu.memref_squeeze %dma_start3A_42 : memref<1x33xf32, #tpu.memory_space<hbm>> -> memref<33xf32, #tpu.memory_space<hbm>>
      tpu.enqueue_dma source(%dma_start3A_43 : memref<33xf32, #tpu.memory_space<hbm>>) target(%dma_start3A_40 : memref<33xf32, #tpu.memory_space<vmem>>) target_semaphore(%arg10 : memref<!tpu.dma_semaphore, #tpu.memory_space<semaphore_mem>>)
      %slice3A_44 = vector.extract_strided_slice %get3A_28 {offsets = [0], sizes = [1], strides = [1]} : vector<16xi32> to vector<1xi32>
      %squeeze3A_45 = vector.extract %slice3A_44[0] : i32 from vector<1xi32>
      %dma_start3A_46 = arith.constant 40 : i32
      %dma_start3A_47 = tpu.memref_slice %arg9[%add3A_32, %dma_start3A_46] : memref<512x128xf32, #tpu.memory_space<vmem>> -> memref<1x33xf32, #tpu.memory_space<vmem>>
      %dma_start3A_48 = tpu.memref_squeeze %dma_start3A_47 : memref<1x33xf32, #tpu.memory_space<vmem>> -> memref<33xf32, #tpu.memory_space<vmem>>
      %dma_start3A_49 = arith.constant 0 : i32
      %dma_start3A_50 = tpu.memref_slice %arg5[%squeeze3A_45, %dma_start3A_49] : memref<1000000x33xf32, #tpu.memory_space<hbm>> -> memref<1x33xf32, #tpu.memory_space<hbm>>
      %dma_start3A_51 = tpu.memref_squeeze %dma_start3A_50 : memref<1x33xf32, #tpu.memory_space<hbm>> -> memref<33xf32, #tpu.memory_space<hbm>>
      %dma_start3A_52 = arith.constant 40 : i32
      %dma_start3A_53 = tpu.memref_slice %arg9[%add3A_32, %dma_start3A_52] : memref<512x128xf32, #tpu.memory_space<vmem>> -> memref<1x33xf32, #tpu.memory_space<vmem>>
      %dma_start3A_54 = tpu.memref_squeeze %dma_start3A_53 : memref<1x33xf32, #tpu.memory_space<vmem>> -> memref<33xf32, #tpu.memory_space<vmem>>
      %dma_start3A_55 = arith.constant 0 : i32
      %dma_start3A_56 = tpu.memref_slice %arg5[%squeeze3A_45, %dma_start3A_55] : memref<1000000x33xf32, #tpu.memory_space<hbm>> -> memref<1x33xf32, #tpu.memory_space<hbm>>
      %dma_start3A_57 = tpu.memref_squeeze %dma_start3A_56 : memref<1x33xf32, #tpu.memory_space<hbm>> -> memref<33xf32, #tpu.memory_space<hbm>>
      tpu.enqueue_dma source(%dma_start3A_57 : memref<33xf32, #tpu.memory_space<hbm>>) target(%dma_start3A_54 : memref<33xf32, #tpu.memory_space<vmem>>) target_semaphore(%arg10 : memref<!tpu.dma_semaphore, #tpu.memory_space<semaphore_mem>>)
      %mul3A_58 = arith.constant 16 : i32
      %mul3A_59 = arith.muli %scan3A_19, %mul3A_58 : i32
      %add3A_60 = arith.constant 1 : i32
      %add3A_61 = arith.addi %mul3A_59, %add3A_60 : i32
      %slice3A_62 = vector.extract_strided_slice %get3A_23 {offsets = [1], sizes = [1], strides = [1]} : vector<16xi32> to vector<1xi32>
      %squeeze3A_63 = vector.extract %slice3A_62[0] : i32 from vector<1xi32>
      %dma_start3A_64 = arith.constant 0 : i32
      %dma_start3A_65 = tpu.memref_slice %arg9[%add3A_61, %dma_start3A_64] : memref<512x128xf32, #tpu.memory_space<vmem>> -> memref<1x33xf32, #tpu.memory_space<vmem>>
      %dma_start3A_66 = tpu.memref_squeeze %dma_start3A_65 : memref<1x33xf32, #tpu.memory_space<vmem>> -> memref<33xf32, #tpu.memory_space<vmem>>
      %dma_start3A_67 = arith.constant 0 : i32
      %dma_start3A_68 = tpu.memref_slice %arg4[%squeeze3A_63, %dma_start3A_67] : memref<1000000x33xf32, #tpu.memory_space<hbm>> -> memref<1x33xf32, #tpu.memory_space<hbm>>
      %dma_start3A_69 = tpu.memref_squeeze %dma_start3A_68 : memref<1x33xf32, #tpu.memory_space<hbm>> -> memref<33xf32, #tpu.memory_space<hbm>>
      %dma_start3A_70 = arith.constant 0 : i32
      %dma_start3A_71 = tpu.memref_slice %arg9[%add3A_61, %dma_start3A_70] : memref<512x128xf32, #tpu.memory_space<vmem>> -> memref<1x33xf32, #tpu.memory_space<vmem>>
      %dma_start3A_72 = tpu.memref_squeeze %dma_start3A_71 : memref<1x33xf32, #tpu.memory_space<vmem>> -> memref<33xf32, #tpu.memory_space<vmem>>
      %dma_start3A_73 = arith.constant 0 : i32
      %dma_start3A_74 = tpu.memref_slice %arg4[%squeeze3A_63, %dma_start3A_73] : memref<1000000x33xf32, #tpu.memory_space<hbm>> -> memref<1x33xf32, #tpu.memory_space<hbm>>
      %dma_start3A_75 = tpu.memref_squeeze %dma_start3A_74 : memref<1x33xf32, #tpu.memory_space<hbm>> -> memref<33xf32, #tpu.memory_space<hbm>>
      tpu.enqueue_dma source(%dma_start3A_75 : memref<33xf32, #tpu.memory_space<hbm>>) target(%dma_start3A_72 : memref<33xf32, #tpu.memory_space<vmem>>) target_semaphore(%arg10 : memref<!tpu.dma_semaphore, #tpu.memory_space<semaphore_mem>>)
      %slice3A_76 = vector.extract_strided_slice %get3A_28 {offsets = [1], sizes = [1], strides = [1]} : vector<16xi32> to vector<1xi32>
      %squeeze3A_77 = vector.extract %slice3A_76[0] : i32 from vector<1xi32>
      %dma_start3A_78 = arith.constant 40 : i32
      %dma_start3A_79 = tpu.memref_slice %arg9[%add3A_61, %dma_start3A_78] : memref<512x128xf32, #tpu.memory_space<vmem>> -> memref<1x33xf32, #tpu.memory_space<vmem>>
      %dma_start3A_80 = tpu.memref_squeeze %dma_start3A_79 : memref<1x33xf32, #tpu.memory_space<vmem>> -> memref<33xf32, #tpu.memory_space<vmem>>
      %dma_start3A_81 = arith.constant 0 : i32
      %dma_start3A_82 = tpu.memref_slice %arg5[%squeeze3A_77, %dma_start3A_81] : memref<1000000x33xf32, #tpu.memory_space<hbm>> -> memref<1x33xf32, #tpu.memory_space<hbm>>
      %dma_start3A_83 = tpu.memref_squeeze %dma_start3A_82 : memref<1x33xf32, #tpu.memory_space<hbm>> -> memref<33xf32, #tpu.memory_space<hbm>>
      %dma_start3A_84 = arith.constant 40 : i32
      %dma_start3A_85 = tpu.memref_slice %arg9[%add3A_61, %dma_start3A_84] : memref<512x128xf32, #tpu.memory_space<vmem>> -> memref<1x33xf32, #tpu.memory_space<vmem>>
      %dma_start3A_86 = tpu.memref_squeeze %dma_start3A_85 : memref<1x33xf32, #tpu.memory_space<vmem>> -> memref<33xf32, #tpu.memory_space<vmem>>
      %dma_start3A_87 = arith.constant 0 : i32
      %dma_start3A_88 = tpu.memref_slice %arg5[%squeeze3A_77, %dma_start3A_87] : memref<1000000x33xf32, #tpu.memory_space<hbm>> -> memref<1x33xf32, #tpu.memory_space<hbm>>
      %dma_start3A_89 = tpu.memref_squeeze %dma_start3A_88 : memref<1x33xf32, #tpu.memory_space<hbm>> -> memref<33xf32, #tpu.memory_space<hbm>>
      tpu.enqueue_dma source(%dma_start3A_89 : memref<33xf32, #tpu.memory_space<hbm>>) target(%dma_start3A_86 : memref<33xf32, #tpu.memory_space<vmem>>) target_semaphore(%arg10 : memref<!tpu.dma_semaphore, #tpu.memory_space<semaphore_mem>>)
      %mul3A_90 = arith.constant 16 : i32
      %mul3A_91 = arith.muli %scan3A_19, %mul3A_90 : i32
      %add3A_92 = arith.constant 2 : i32
      %add3A_93 = arith.addi %mul3A_91, %add3A_92 : i32
      %slice3A_94 = vector.extract_strided_slice %get3A_23 {offsets = [2], sizes = [1], strides = [1]} : vector<16xi32> to vector<1xi32>
      %squeeze3A_95 = vector.extract %slice3A_94[0] : i32 from vector<1xi32>
      %dma_start3A_96 = arith.constant 0 : i32
      %dma_start3A_97 = tpu.memref_slice %arg9[%add3A_93, %dma_start3A_96] : memref<512x128xf32, #tpu.memory_space<vmem>> -> memref<1x33xf32, #tpu.memory_space<vmem>>
      %dma_start3A_98 = tpu.memref_squeeze %dma_start3A_97 : memref<1x33xf32, #tpu.memory_space<vmem>> -> memref<33xf32, #tpu.memory_space<vmem>>
      %dma_start3A_99 = arith.constant 0 : i32
      %dma_start3A_100 = tpu.memref_slice %arg4[%squeeze3A_95, %dma_start3A_99] : memref<1000000x33xf32, #tpu.memory_space<hbm>> -> memref<1x33xf32, #tpu.memory_space<hbm>>
      %dma_start3A_101 = tpu.memref_squeeze %dma_start3A_100 : memref<1x33xf32, #tpu.memory_space<hbm>> -> memref<33xf32, #tpu.memory_space<hbm>>
      %dma_start3A_102 = arith.constant 0 : i32
      %dma_start3A_103 = tpu.memref_slice %arg9[%add3A_93, %dma_start3A_102] : memref<512x128xf32, #tpu.memory_space<vmem>> -> memref<1x33xf32, #tpu.memory_space<vmem>>
      %dma_start3A_104 = tpu.memref_squeeze %dma_start3A_103 : memref<1x33xf32, #tpu.memory_space<vmem>> -> memref<33xf32, #tpu.memory_space<vmem>>
      %dma_start3A_105 = arith.constant 0 : i32
      %dma_start3A_106 = tpu.memref_slice %arg4[%squeeze3A_95, %dma_start3A_105] : memref<1000000x33xf32, #tpu.memory_space<hbm>> -> memref<1x33xf32, #tpu.memory_space<hbm>>
      %dma_start3A_107 = tpu.memref_squeeze %dma_start3A_106 : memref<1x33xf32, #tpu.memory_space<hbm>> -> memref<33xf32, #tpu.memory_space<hbm>>
      tpu.enqueue_dma source(%dma_start3A_107 : memref<33xf32, #tpu.memory_space<hbm>>) target(%dma_start3A_104 : memref<33xf32, #tpu.memory_space<vmem>>) target_semaphore(%arg10 : memref<!tpu.dma_semaphore, #tpu.memory_space<semaphore_mem>>)
      %slice3A_108 = vector.extract_strided_slice %get3A_28 {offsets = [2], sizes = [1], strides = [1]} : vector<16xi32> to vector<1xi32>
      %squeeze3A_109 = vector.extract %slice3A_108[0] : i32 from vector<1xi32>
      %dma_start3A_110 = arith.constant 40 : i32
      %dma_start3A_111 = tpu.memref_slice %arg9[%add3A_93, %dma_start3A_110] : memref<512x128xf32, #tpu.memory_space<vmem>> -> memref<1x33xf32, #tpu.memory_space<vmem>>
      %dma_start3A_112 = tpu.memref_squeeze %dma_start3A_111 : memref<1x33xf32, #tpu.memory_space<vmem>> -> memref<33xf32, #tpu.memory_space<vmem>>
      %dma_start3A_113 = arith.constant 0 : i32
      %dma_start3A_114 = tpu.memref_slice %arg5[%squeeze3A_109, %dma_start3A_113] : memref<1000000x33xf32, #tpu.memory_space<hbm>> -> memref<1x33xf32, #tpu.memory_space<hbm>>
      %dma_start3A_115 = tpu.memref_squeeze %dma_start3A_114 : memref<1x33xf32, #tpu.memory_space<hbm>> -> memref<33xf32, #tpu.memory_space<hbm>>
      %dma_start3A_116 = arith.constant 40 : i32
      %dma_start3A_117 = tpu.memref_slice %arg9[%add3A_93, %dma_start3A_116] : memref<512x128xf32, #tpu.memory_space<vmem>> -> memref<1x33xf32, #tpu.memory_space<vmem>>
      %dma_start3A_118 = tpu.memref_squeeze %dma_start3A_117 : memref<1x33xf32, #tpu.memory_space<vmem>> -> memref<33xf32, #tpu.memory_space<vmem>>
      %dma_start3A_119 = arith.constant 0 : i32
      %dma_start3A_120 = tpu.memref_slice %arg5[%squeeze3A_109, %dma_start3A_119] : memref<1000000x33xf32, #tpu.memory_space<hbm>> -> memref<1x33xf32, #tpu.memory_space<hbm>>
      %dma_start3A_121 = tpu.memref_squeeze %dma_start3A_120 : memref<1x33xf32, #tpu.memory_space<hbm>> -> memref<33xf32, #tpu.memory_space<hbm>>
      tpu.enqueue_dma source(%dma_start3A_121 : memref<33xf32, #tpu.memory_space<hbm>>) target(%dma_start3A_118 : memref<33xf32, #tpu.memory_space<vmem>>) target_semaphore(%arg10 : memref<!tpu.dma_semaphore, #tpu.memory_space<semaphore_mem>>)
      %mul3A_122 = arith.constant 16 : i32
      %mul3A_123 = arith.muli %scan3A_19, %mul3A_122 : i32
      %add3A_124 = arith.constant 3 : i32
      %add3A_125 = arith.addi %mul3A_123, %add3A_124 : i32
      %slice3A_126 = vector.extract_strided_slice %get3A_23 {offsets = [3], sizes = [1], strides = [1]} : vector<16xi32> to vector<1xi32>
      %squeeze3A_127 = vector.extract %slice3A_126[0] : i32 from vector<1xi32>
      %dma_start3A_128 = arith.constant 0 : i32
      %dma_start3A_129 = tpu.memref_slice %arg9[%add3A_125, %dma_start3A_128] : memref<512x128xf32, #tpu.memory_space<vmem>> -> memref<1x33xf32, #tpu.memory_space<vmem>>
      %dma_start3A_130 = tpu.memref_squeeze %dma_start3A_129 : memref<1x33xf32, #tpu.memory_space<vmem>> -> memref<33xf32, #tpu.memory_space<vmem>>
      %dma_start3A_131 = arith.constant 0 : i32
      %dma_start3A_132 = tpu.memref_slice %arg4[%squeeze3A_127, %dma_start3A_131] : memref<1000000x33xf32, #tpu.memory_space<hbm>> -> memref<1x33xf32, #tpu.memory_space<hbm>>
      %dma_start3A_133 = tpu.memref_squeeze %dma_start3A_132 : memref<1x33xf32, #tpu.memory_space<hbm>> -> memref<33xf32, #tpu.memory_space<hbm>>
      %dma_start3A_134 = arith.constant 0 : i32
      %dma_start3A_135 = tpu.memref_slice %arg9[%add3A_125, %dma_start3A_134] : memref<512x128xf32, #tpu.memory_space<vmem>> -> memref<1x33xf32, #tpu.memory_space<vmem>>
      %dma_start3A_136 = tpu.memref_squeeze %dma_start3A_135 : memref<1x33xf32, #tpu.memory_space<vmem>> -> memref<33xf32, #tpu.memory_space<vmem>>
      %dma_start3A_137 = arith.constant 0 : i32
      %dma_start3A_138 = tpu.memref_slice %arg4[%squeeze3A_127, %dma_start3A_137] : memref<1000000x33xf32, #tpu.memory_space<hbm>> -> memref<1x33xf32, #tpu.memory_space<hbm>>
      %dma_start3A_139 = tpu.memref_squeeze %dma_start3A_138 : memref<1x33xf32, #tpu.memory_space<hbm>> -> memref<33xf32, #tpu.memory_space<hbm>>
      tpu.enqueue_dma source(%dma_start3A_139 : memref<33xf32, #tpu.memory_space<hbm>>) target(%dma_start3A_136 : memref<33xf32, #tpu.memory_space<vmem>>) target_semaphore(%arg10 : memref<!tpu.dma_semaphore, #tpu.memory_space<semaphore_mem>>)
      %slice3A_140 = vector.extract_strided_slice %get3A_28 {offsets = [3], sizes = [1], strides = [1]} : vector<16xi32> to vector<1xi32>
      %squeeze3A_141 = vector.extract %slice3A_140[0] : i32 from vector<1xi32>
      %dma_start3A_142 = arith.constant 40 : i32
      %dma_start3A_143 = tpu.memref_slice %arg9[%add3A_125, %dma_start3A_142] : memref<512x128xf32, #tpu.memory_space<vmem>> -> memref<1x33xf32, #tpu.memory_space<vmem>>
      %dma_start3A_144 = tpu.memref_squeeze %dma_start3A_143 : memref<1x33xf32, #tpu.memory_space<vmem>> -> memref<33xf32, #tpu.memory_space<vmem>>
      %dma_start3A_145 = arith.constant 0 : i32
      %dma_start3A_146 = tpu.memref_slice %arg5[%squeeze3A_141, %dma_start3A_145] : memref<1000000x33xf32, #tpu.memory_space<hbm>> -> memref<1x33xf32, #tpu.memory_space<hbm>>
      %dma_start3A_147 = tpu.memref_squeeze %dma_start3A_146 : memref<1x33xf32, #tpu.memory_space<hbm>> -> memref<33xf32, #tpu.memory_space<hbm>>
      %dma_start3A_148 = arith.constant 40 : i32
      %dma_start3A_149 = tpu.memref_slice %arg9[%add3A_125, %dma_start3A_148] : memref<512x128xf32, #tpu.memory_space<vmem>> -> memref<1x33xf32, #tpu.memory_space<vmem>>
      %dma_start3A_150 = tpu.memref_squeeze %dma_start3A_149 : memref<1x33xf32, #tpu.memory_space<vmem>> -> memref<33xf32, #tpu.memory_space<vmem>>
      %dma_start3A_151 = arith.constant 0 : i32
      %dma_start3A_152 = tpu.memref_slice %arg5[%squeeze3A_141, %dma_start3A_151] : memref<1000000x33xf32, #tpu.memory_space<hbm>> -> memref<1x33xf32, #tpu.memory_space<hbm>>
      %dma_start3A_153 = tpu.memref_squeeze %dma_start3A_152 : memref<1x33xf32, #tpu.memory_space<hbm>> -> memref<33xf32, #tpu.memory_space<hbm>>
      tpu.enqueue_dma source(%dma_start3A_153 : memref<33xf32, #tpu.memory_space<hbm>>) target(%dma_start3A_150 : memref<33xf32, #tpu.memory_space<vmem>>) target_semaphore(%arg10 : memref<!tpu.dma_semaphore, #tpu.memory_space<semaphore_mem>>)
      %mul3A_154 = arith.constant 16 : i32
      %mul3A_155 = arith.muli %scan3A_19, %mul3A_154 : i32
      %add3A_156 = arith.constant 4 : i32
      %add3A_157 = arith.addi %mul3A_155, %add3A_156 : i32
      %slice3A_158 = vector.extract_strided_slice %get3A_23 {offsets = [4], sizes = [1], strides = [1]} : vector<16xi32> to vector<1xi32>
      %squeeze3A_159 = vector.extract %slice3A_158[0] : i32 from vector<1xi32>
      %dma_start3A_160 = arith.constant 0 : i32
      %dma_start3A_161 = tpu.memref_slice %arg9[%add3A_157, %dma_start3A_160] : memref<512x128xf32, #tpu.memory_space<vmem>> -> memref<1x33xf32, #tpu.memory_space<vmem>>
      %dma_start3A_162 = tpu.memref_squeeze %dma_start3A_161 : memref<1x33xf32, #tpu.memory_space<vmem>> -> memref<33xf32, #tpu.memory_space<vmem>>
      %dma_start3A_163 = arith.constant 0 : i32
      %dma_start3A_164 = tpu.memref_slice %arg4[%squeeze3A_159, %dma_start3A_163] : memref<1000000x33xf32, #tpu.memory_space<hbm>> -> memref<1x33xf32, #tpu.memory_space<hbm>>
      %dma_start3A_165 = tpu.memref_squeeze %dma_start3A_164 : memref<1x33xf32, #tpu.memory_space<hbm>> -> memref<33xf32, #tpu.memory_space<hbm>>
      %dma_start3A_166 = arith.constant 0 : i32
      %dma_start3A_167 = tpu.memref_slice %arg9[%add3A_157, %dma_start3A_166] : memref<512x128xf32, #tpu.memory_space<vmem>> -> memref<1x33xf32, #tpu.memory_space<vmem>>
      %dma_start3A_168 = tpu.memref_squeeze %dma_start3A_167 : memref<1x33xf32, #tpu.memory_space<vmem>> -> memref<33xf32, #tpu.memory_space<vmem>>
      %dma_start3A_169 = arith.constant 0 : i32
      %dma_start3A_170 = tpu.memref_slice %arg4[%squeeze3A_159, %dma_start3A_169] : memref<1000000x33xf32, #tpu.memory_space<hbm>> -> memref<1x33xf32, #tpu.memory_space<hbm>>
      %dma_start3A_171 = tpu.memref_squeeze %dma_start3A_170 : memref<1x33xf32, #tpu.memory_space<hbm>> -> memref<33xf32, #tpu.memory_space<hbm>>
      tpu.enqueue_dma source(%dma_start3A_171 : memref<33xf32, #tpu.memory_space<hbm>>) target(%dma_start3A_168 : memref<33xf32, #tpu.memory_space<vmem>>) target_semaphore(%arg10 : memref<!tpu.dma_semaphore, #tpu.memory_space<semaphore_mem>>)
      %slice3A_172 = vector.extract_strided_slice %get3A_28 {offsets = [4], sizes = [1], strides = [1]} : vector<16xi32> to vector<1xi32>
      %squeeze3A_173 = vector.extract %slice3A_172[0] : i32 from vector<1xi32>
      %dma_start3A_174 = arith.constant 40 : i32
      %dma_start3A_175 = tpu.memref_slice %arg9[%add3A_157, %dma_start3A_174] : memref<512x128xf32, #tpu.memory_space<vmem>> -> memref<1x33xf32, #tpu.memory_space<vmem>>
      %dma_start3A_176 = tpu.memref_squeeze %dma_start3A_175 : memref<1x33xf32, #tpu.memory_space<vmem>> -> memref<33xf32, #tpu.memory_space<vmem>>
      %dma_start3A_177 = arith.constant 0 : i32
      %dma_start3A_178 = tpu.memref_slice %arg5[%squeeze3A_173, %dma_start3A_177] : memref<1000000x33xf32, #tpu.memory_space<hbm>> -> memref<1x33xf32, #tpu.memory_space<hbm>>
      %dma_start3A_179 = tpu.memref_squeeze %dma_start3A_178 : memref<1x33xf32, #tpu.memory_space<hbm>> -> memref<33xf32, #tpu.memory_space<hbm>>
      %dma_start3A_180 = arith.constant 40 : i32
      %dma_start3A_181 = tpu.memref_slice %arg9[%add3A_157, %dma_start3A_180] : memref<512x128xf32, #tpu.memory_space<vmem>> -> memref<1x33xf32, #tpu.memory_space<vmem>>
      %dma_start3A_182 = tpu.memref_squeeze %dma_start3A_181 : memref<1x33xf32, #tpu.memory_space<vmem>> -> memref<33xf32, #tpu.memory_space<vmem>>
      %dma_start3A_183 = arith.constant 0 : i32
      %dma_start3A_184 = tpu.memref_slice %arg5[%squeeze3A_173, %dma_start3A_183] : memref<1000000x33xf32, #tpu.memory_space<hbm>> -> memref<1x33xf32, #tpu.memory_space<hbm>>
      %dma_start3A_185 = tpu.memref_squeeze %dma_start3A_184 : memref<1x33xf32, #tpu.memory_space<hbm>> -> memref<33xf32, #tpu.memory_space<hbm>>
      tpu.enqueue_dma source(%dma_start3A_185 : memref<33xf32, #tpu.memory_space<hbm>>) target(%dma_start3A_182 : memref<33xf32, #tpu.memory_space<vmem>>) target_semaphore(%arg10 : memref<!tpu.dma_semaphore, #tpu.memory_space<semaphore_mem>>)
      %mul3A_186 = arith.constant 16 : i32
      %mul3A_187 = arith.muli %scan3A_19, %mul3A_186 : i32
      %add3A_188 = arith.constant 5 : i32
      %add3A_189 = arith.addi %mul3A_187, %add3A_188 : i32
      %slice3A_190 = vector.extract_strided_slice %get3A_23 {offsets = [5], sizes = [1], strides = [1]} : vector<16xi32> to vector<1xi32>
      %squeeze3A_191 = vector.extract %slice3A_190[0] : i32 from vector<1xi32>
      %dma_start3A_192 = arith.constant 0 : i32
      %dma_start3A_193 = tpu.memref_slice %arg9[%add3A_189, %dma_start3A_192] : memref<512x128xf32, #tpu.memory_space<vmem>> -> memref<1x33xf32, #tpu.memory_space<vmem>>
      %dma_start3A_194 = tpu.memref_squeeze %dma_start3A_193 : memref<1x33xf32, #tpu.memory_space<vmem>> -> memref<33xf32, #tpu.memory_space<vmem>>
      %dma_start3A_195 = arith.constant 0 : i32
      %dma_start3A_196 = tpu.memref_slice %arg4[%squeeze3A_191, %dma_start3A_195] : memref<1000000x33xf32, #tpu.memory_space<hbm>> -> memref<1x33xf32, #tpu.memory_space<hbm>>
      %dma_start3A_197 = tpu.memref_squeeze %dma_start3A_196 : memref<1x33xf32, #tpu.memory_space<hbm>> -> memref<33xf32, #tpu.memory_space<hbm>>
      %dma_start3A_198 = arith.constant 0 : i32
      %dma_start3A_199 = tpu.memref_slice %arg9[%add3A_189, %dma_start3A_198] : memref<512x128xf32, #tpu.memory_space<vmem>> -> memref<1x33xf32, #tpu.memory_space<vmem>>
      %dma_start3A_200 = tpu.memref_squeeze %dma_start3A_199 : memref<1x33xf32, #tpu.memory_space<vmem>> -> memref<33xf32, #tpu.memory_space<vmem>>
      %dma_start3A_201 = arith.constant 0 : i32
      %dma_start3A_202 = tpu.memref_slice %arg4[%squeeze3A_191, %dma_start3A_201] : memref<1000000x33xf32, #tpu.memory_space<hbm>> -> memref<1x33xf32, #tpu.memory_space<hbm>>
      %dma_start3A_203 = tpu.memref_squeeze %dma_start3A_202 : memref<1x33xf32, #tpu.memory_space<hbm>> -> memref<33xf32, #tpu.memory_space<hbm>>
      tpu.enqueue_dma source(%dma_start3A_203 : memref<33xf32, #tpu.memory_space<hbm>>) target(%dma_start3A_200 : memref<33xf32, #tpu.memory_space<vmem>>) target_semaphore(%arg10 : memref<!tpu.dma_semaphore, #tpu.memory_space<semaphore_mem>>)
      %slice3A_204 = vector.extract_strided_slice %get3A_28 {offsets = [5], sizes = [1], strides = [1]} : vector<16xi32> to vector<1xi32>
      %squeeze3A_205 = vector.extract %slice3A_204[0] : i32 from vector<1xi32>
      %dma_start3A_206 = arith.constant 40 : i32
      %dma_start3A_207 = tpu.memref_slice %arg9[%add3A_189, %dma_start3A_206] : memref<512x128xf32, #tpu.memory_space<vmem>> -> memref<1x33xf32, #tpu.memory_space<vmem>>
      %dma_start3A_208 = tpu.memref_squeeze %dma_start3A_207 : memref<1x33xf32, #tpu.memory_space<vmem>> -> memref<33xf32, #tpu.memory_space<vmem>>
      %dma_start3A_209 = arith.constant 0 : i32
      %dma_start3A_210 = tpu.memref_slice %arg5[%squeeze3A_205, %dma_start3A_209] : memref<1000000x33xf32, #tpu.memory_space<hbm>> -> memref<1x33xf32, #tpu.memory_space<hbm>>
      %dma_start3A_211 = tpu.memref_squeeze %dma_start3A_210 : memref<1x33xf32, #tpu.memory_space<hbm>> -> memref<33xf32, #tpu.memory_space<hbm>>
      %dma_start3A_212 = arith.constant 40 : i32
      %dma_start3A_213 = tpu.memref_slice %arg9[%add3A_189, %dma_start3A_212] : memref<512x128xf32, #tpu.memory_space<vmem>> -> memref<1x33xf32, #tpu.memory_space<vmem>>
      %dma_start3A_214 = tpu.memref_squeeze %dma_start3A_213 : memref<1x33xf32, #tpu.memory_space<vmem>> -> memref<33xf32, #tpu.memory_space<vmem>>
      %dma_start3A_215 = arith.constant 0 : i32
      %dma_start3A_216 = tpu.memref_slice %arg5[%squeeze3A_205, %dma_start3A_215] : memref<1000000x33xf32, #tpu.memory_space<hbm>> -> memref<1x33xf32, #tpu.memory_space<hbm>>
      %dma_start3A_217 = tpu.memref_squeeze %dma_start3A_216 : memref<1x33xf32, #tpu.memory_space<hbm>> -> memref<33xf32, #tpu.memory_space<hbm>>
      tpu.enqueue_dma source(%dma_start3A_217 : memref<33xf32, #tpu.memory_space<hbm>>) target(%dma_start3A_214 : memref<33xf32, #tpu.memory_space<vmem>>) target_semaphore(%arg10 : memref<!tpu.dma_semaphore, #tpu.memory_space<semaphore_mem>>)
      %mul3A_218 = arith.constant 16 : i32
      %mul3A_219 = arith.muli %scan3A_19, %mul3A_218 : i32
      %add3A_220 = arith.constant 6 : i32
      %add3A_221 = arith.addi %mul3A_219, %add3A_220 : i32
      %slice3A_222 = vector.extract_strided_slice %get3A_23 {offsets = [6], sizes = [1], strides = [1]} : vector<16xi32> to vector<1xi32>
      %squeeze3A_223 = vector.extract %slice3A_222[0] : i32 from vector<1xi32>
      %dma_start3A_224 = arith.constant 0 : i32
      %dma_start3A_225 = tpu.memref_slice %arg9[%add3A_221, %dma_start3A_224] : memref<512x128xf32, #tpu.memory_space<vmem>> -> memref<1x33xf32, #tpu.memory_space<vmem>>
      %dma_start3A_226 = tpu.memref_squeeze %dma_start3A_225 : memref<1x33xf32, #tpu.memory_space<vmem>> -> memref<33xf32, #tpu.memory_space<vmem>>
      %dma_start3A_227 = arith.constant 0 : i32
      %dma_start3A_228 = tpu.memref_slice %arg4[%squeeze3A_223, %dma_start3A_227] : memref<1000000x33xf32, #tpu.memory_space<hbm>> -> memref<1x33xf32, #tpu.memory_space<hbm>>
      %dma_start3A_229 = tpu.memref_squeeze %dma_start3A_228 : memref<1x33xf32, #tpu.memory_space<hbm>> -> memref<33xf32, #tpu.memory_space<hbm>>
      %dma_start3A_230 = arith.constant 0 : i32
      %dma_start3A_231 = tpu.memref_slice %arg9[%add3A_221, %dma_start3A_230] : memref<512x128xf32, #tpu.memory_space<vmem>> -> memref<1x33xf32, #tpu.memory_space<vmem>>
      %dma_start3A_232 = tpu.memref_squeeze %dma_start3A_231 : memref<1x33xf32, #tpu.memory_space<vmem>> -> memref<33xf32, #tpu.memory_space<vmem>>
      %dma_start3A_233 = arith.constant 0 : i32
      %dma_start3A_234 = tpu.memref_slice %arg4[%squeeze3A_223, %dma_start3A_233] : memref<1000000x33xf32, #tpu.memory_space<hbm>> -> memref<1x33xf32, #tpu.memory_space<hbm>>
      %dma_start3A_235 = tpu.memref_squeeze %dma_start3A_234 : memref<1x33xf32, #tpu.memory_space<hbm>> -> memref<33xf32, #tpu.memory_space<hbm>>
      tpu.enqueue_dma source(%dma_start3A_235 : memref<33xf32, #tpu.memory_space<hbm>>) target(%dma_start3A_232 : memref<33xf32, #tpu.memory_space<vmem>>) target_semaphore(%arg10 : memref<!tpu.dma_semaphore, #tpu.memory_space<semaphore_mem>>)
      %slice3A_236 = vector.extract_strided_slice %get3A_28 {offsets = [6], sizes = [1], strides = [1]} : vector<16xi32> to vector<1xi32>
      %squeeze3A_237 = vector.extract %slice3A_236[0] : i32 from vector<1xi32>
      %dma_start3A_238 = arith.constant 40 : i32
      %dma_start3A_239 = tpu.memref_slice %arg9[%add3A_221, %dma_start3A_238] : memref<512x128xf32, #tpu.memory_space<vmem>> -> memref<1x33xf32, #tpu.memory_space<vmem>>
      %dma_start3A_240 = tpu.memref_squeeze %dma_start3A_239 : memref<1x33xf32, #tpu.memory_space<vmem>> -> memref<33xf32, #tpu.memory_space<vmem>>
      %dma_start3A_241 = arith.constant 0 : i32
      %dma_start3A_242 = tpu.memref_slice %arg5[%squeeze3A_237, %dma_start3A_241] : memref<1000000x33xf32, #tpu.memory_space<hbm>> -> memref<1x33xf32, #tpu.memory_space<hbm>>
      %dma_start3A_243 = tpu.memref_squeeze %dma_start3A_242 : memref<1x33xf32, #tpu.memory_space<hbm>> -> memref<33xf32, #tpu.memory_space<hbm>>
      %dma_start3A_244 = arith.constant 40 : i32
      %dma_start3A_245 = tpu.memref_slice %arg9[%add3A_221, %dma_start3A_244] : memref<512x128xf32, #tpu.memory_space<vmem>> -> memref<1x33xf32, #tpu.memory_space<vmem>>
      %dma_start3A_246 = tpu.memref_squeeze %dma_start3A_245 : memref<1x33xf32, #tpu.memory_space<vmem>> -> memref<33xf32, #tpu.memory_space<vmem>>
      %dma_start3A_247 = arith.constant 0 : i32
      %dma_start3A_248 = tpu.memref_slice %arg5[%squeeze3A_237, %dma_start3A_247] : memref<1000000x33xf32, #tpu.memory_space<hbm>> -> memref<1x33xf32, #tpu.memory_space<hbm>>
      %dma_start3A_249 = tpu.memref_squeeze %dma_start3A_248 : memref<1x33xf32, #tpu.memory_space<hbm>> -> memref<33xf32, #tpu.memory_space<hbm>>
      tpu.enqueue_dma source(%dma_start3A_249 : memref<33xf32, #tpu.memory_space<hbm>>) target(%dma_start3A_246 : memref<33xf32, #tpu.memory_space<vmem>>) target_semaphore(%arg10 : memref<!tpu.dma_semaphore, #tpu.memory_space<semaphore_mem>>)
      %mul3A_250 = arith.constant 16 : i32
      %mul3A_251 = arith.muli %scan3A_19, %mul3A_250 : i32
      %add3A_252 = arith.constant 7 : i32
      %add3A_253 = arith.addi %mul3A_251, %add3A_252 : i32
      %slice3A_254 = vector.extract_strided_slice %get3A_23 {offsets = [7], sizes = [1], strides = [1]} : vector<16xi32> to vector<1xi32>
      %squeeze3A_255 = vector.extract %slice3A_254[0] : i32 from vector<1xi32>
      %dma_start3A_256 = arith.constant 0 : i32
      %dma_start3A_257 = tpu.memref_slice %arg9[%add3A_253, %dma_start3A_256] : memref<512x128xf32, #tpu.memory_space<vmem>> -> memref<1x33xf32, #tpu.memory_space<vmem>>
      %dma_start3A_258 = tpu.memref_squeeze %dma_start3A_257 : memref<1x33xf32, #tpu.memory_space<vmem>> -> memref<33xf32, #tpu.memory_space<vmem>>
      %dma_start3A_259 = arith.constant 0 : i32
      %dma_start3A_260 = tpu.memref_slice %arg4[%squeeze3A_255, %dma_start3A_259] : memref<1000000x33xf32, #tpu.memory_space<hbm>> -> memref<1x33xf32, #tpu.memory_space<hbm>>
      %dma_start3A_261 = tpu.memref_squeeze %dma_start3A_260 : memref<1x33xf32, #tpu.memory_space<hbm>> -> memref<33xf32, #tpu.memory_space<hbm>>
      %dma_start3A_262 = arith.constant 0 : i32
      %dma_start3A_263 = tpu.memref_slice %arg9[%add3A_253, %dma_start3A_262] : memref<512x128xf32, #tpu.memory_space<vmem>> -> memref<1x33xf32, #tpu.memory_space<vmem>>
      %dma_start3A_264 = tpu.memref_squeeze %dma_start3A_263 : memref<1x33xf32, #tpu.memory_space<vmem>> -> memref<33xf32, #tpu.memory_space<vmem>>
      %dma_start3A_265 = arith.constant 0 : i32
      %dma_start3A_266 = tpu.memref_slice %arg4[%squeeze3A_255, %dma_start3A_265] : memref<1000000x33xf32, #tpu.memory_space<hbm>> -> memref<1x33xf32, #tpu.memory_space<hbm>>
      %dma_start3A_267 = tpu.memref_squeeze %dma_start3A_266 : memref<1x33xf32, #tpu.memory_space<hbm>> -> memref<33xf32, #tpu.memory_space<hbm>>
      tpu.enqueue_dma source(%dma_start3A_267 : memref<33xf32, #tpu.memory_space<hbm>>) target(%dma_start3A_264 : memref<33xf32, #tpu.memory_space<vmem>>) target_semaphore(%arg10 : memref<!tpu.dma_semaphore, #tpu.memory_space<semaphore_mem>>)
      %slice3A_268 = vector.extract_strided_slice %get3A_28 {offsets = [7], sizes = [1], strides = [1]} : vector<16xi32> to vector<1xi32>
      %squeeze3A_269 = vector.extract %slice3A_268[0] : i32 from vector<1xi32>
      %dma_start3A_270 = arith.constant 40 : i32
      %dma_start3A_271 = tpu.memref_slice %arg9[%add3A_253, %dma_start3A_270] : memref<512x128xf32, #tpu.memory_space<vmem>> -> memref<1x33xf32, #tpu.memory_space<vmem>>
      %dma_start3A_272 = tpu.memref_squeeze %dma_start3A_271 : memref<1x33xf32, #tpu.memory_space<vmem>> -> memref<33xf32, #tpu.memory_space<vmem>>
      %dma_start3A_273 = arith.constant 0 : i32
      %dma_start3A_274 = tpu.memref_slice %arg5[%squeeze3A_269, %dma_start3A_273] : memref<1000000x33xf32, #tpu.memory_space<hbm>> -> memref<1x33xf32, #tpu.memory_space<hbm>>
      %dma_start3A_275 = tpu.memref_squeeze %dma_start3A_274 : memref<1x33xf32, #tpu.memory_space<hbm>> -> memref<33xf32, #tpu.memory_space<hbm>>
      %dma_start3A_276 = arith.constant 40 : i32
      %dma_start3A_277 = tpu.memref_slice %arg9[%add3A_253, %dma_start3A_276] : memref<512x128xf32, #tpu.memory_space<vmem>> -> memref<1x33xf32, #tpu.memory_space<vmem>>
      %dma_start3A_278 = tpu.memref_squeeze %dma_start3A_277 : memref<1x33xf32, #tpu.memory_space<vmem>> -> memref<33xf32, #tpu.memory_space<vmem>>
      %dma_start3A_279 = arith.constant 0 : i32
      %dma_start3A_280 = tpu.memref_slice %arg5[%squeeze3A_269, %dma_start3A_279] : memref<1000000x33xf32, #tpu.memory_space<hbm>> -> memref<1x33xf32, #tpu.memory_space<hbm>>
      %dma_start3A_281 = tpu.memref_squeeze %dma_start3A_280 : memref<1x33xf32, #tpu.memory_space<hbm>> -> memref<33xf32, #tpu.memory_space<hbm>>
      tpu.enqueue_dma source(%dma_start3A_281 : memref<33xf32, #tpu.memory_space<hbm>>) target(%dma_start3A_278 : memref<33xf32, #tpu.memory_space<vmem>>) target_semaphore(%arg10 : memref<!tpu.dma_semaphore, #tpu.memory_space<semaphore_mem>>)
      %mul3A_282 = arith.constant 16 : i32
      %mul3A_283 = arith.muli %scan3A_19, %mul3A_282 : i32
      %add3A_284 = arith.constant 8 : i32
      %add3A_285 = arith.addi %mul3A_283, %add3A_284 : i32
      %slice3A_286 = vector.extract_strided_slice %get3A_23 {offsets = [8], sizes = [1], strides = [1]} : vector<16xi32> to vector<1xi32>
      %squeeze3A_287 = vector.extract %slice3A_286[0] : i32 from vector<1xi32>
      %dma_start3A_288 = arith.constant 0 : i32
      %dma_start3A_289 = tpu.memref_slice %arg9[%add3A_285, %dma_start3A_288] : memref<512x128xf32, #tpu.memory_space<vmem>> -> memref<1x33xf32, #tpu.memory_space<vmem>>
      %dma_start3A_290 = tpu.memref_squeeze %dma_start3A_289 : memref<1x33xf32, #tpu.memory_space<vmem>> -> memref<33xf32, #tpu.memory_space<vmem>>
      %dma_start3A_291 = arith.constant 0 : i32
      %dma_start3A_292 = tpu.memref_slice %arg4[%squeeze3A_287, %dma_start3A_291] : memref<1000000x33xf32, #tpu.memory_space<hbm>> -> memref<1x33xf32, #tpu.memory_space<hbm>>
      %dma_start3A_293 = tpu.memref_squeeze %dma_start3A_292 : memref<1x33xf32, #tpu.memory_space<hbm>> -> memref<33xf32, #tpu.memory_space<hbm>>
      %dma_start3A_294 = arith.constant 0 : i32
      %dma_start3A_295 = tpu.memref_slice %arg9[%add3A_285, %dma_start3A_294] : memref<512x128xf32, #tpu.memory_space<vmem>> -> memref<1x33xf32, #tpu.memory_space<vmem>>
      %dma_start3A_296 = tpu.memref_squeeze %dma_start3A_295 : memref<1x33xf32, #tpu.memory_space<vmem>> -> memref<33xf32, #tpu.memory_space<vmem>>
      %dma_start3A_297 = arith.constant 0 : i32
      %dma_start3A_298 = tpu.memref_slice %arg4[%squeeze3A_287, %dma_start3A_297] : memref<1000000x33xf32, #tpu.memory_space<hbm>> -> memref<1x33xf32, #tpu.memory_space<hbm>>
      %dma_start3A_299 = tpu.memref_squeeze %dma_start3A_298 : memref<1x33xf32, #tpu.memory_space<hbm>> -> memref<33xf32, #tpu.memory_space<hbm>>
      tpu.enqueue_dma source(%dma_start3A_299 : memref<33xf32, #tpu.memory_space<hbm>>) target(%dma_start3A_296 : memref<33xf32, #tpu.memory_space<vmem>>) target_semaphore(%arg10 : memref<!tpu.dma_semaphore, #tpu.memory_space<semaphore_mem>>)
      %slice3A_300 = vector.extract_strided_slice %get3A_28 {offsets = [8], sizes = [1], strides = [1]} : vector<16xi32> to vector<1xi32>
      %squeeze3A_301 = vector.extract %slice3A_300[0] : i32 from vector<1xi32>
      %dma_start3A_302 = arith.constant 40 : i32
      %dma_start3A_303 = tpu.memref_slice %arg9[%add3A_285, %dma_start3A_302] : memref<512x128xf32, #tpu.memory_space<vmem>> -> memref<1x33xf32, #tpu.memory_space<vmem>>
      %dma_start3A_304 = tpu.memref_squeeze %dma_start3A_303 : memref<1x33xf32, #tpu.memory_space<vmem>> -> memref<33xf32, #tpu.memory_space<vmem>>
      %dma_start3A_305 = arith.constant 0 : i32
      %dma_start3A_306 = tpu.memref_slice %arg5[%squeeze3A_301, %dma_start3A_305] : memref<1000000x33xf32, #tpu.memory_space<hbm>> -> memref<1x33xf32, #tpu.memory_space<hbm>>
      %dma_start3A_307 = tpu.memref_squeeze %dma_start3A_306 : memref<1x33xf32, #tpu.memory_space<hbm>> -> memref<33xf32, #tpu.memory_space<hbm>>
      %dma_start3A_308 = arith.constant 40 : i32
      %dma_start3A_309 = tpu.memref_slice %arg9[%add3A_285, %dma_start3A_308] : memref<512x128xf32, #tpu.memory_space<vmem>> -> memref<1x33xf32, #tpu.memory_space<vmem>>
      %dma_start3A_310 = tpu.memref_squeeze %dma_start3A_309 : memref<1x33xf32, #tpu.memory_space<vmem>> -> memref<33xf32, #tpu.memory_space<vmem>>
      %dma_start3A_311 = arith.constant 0 : i32
      %dma_start3A_312 = tpu.memref_slice %arg5[%squeeze3A_301, %dma_start3A_311] : memref<1000000x33xf32, #tpu.memory_space<hbm>> -> memref<1x33xf32, #tpu.memory_space<hbm>>
      %dma_start3A_313 = tpu.memref_squeeze %dma_start3A_312 : memref<1x33xf32, #tpu.memory_space<hbm>> -> memref<33xf32, #tpu.memory_space<hbm>>
      tpu.enqueue_dma source(%dma_start3A_313 : memref<33xf32, #tpu.memory_space<hbm>>) target(%dma_start3A_310 : memref<33xf32, #tpu.memory_space<vmem>>) target_semaphore(%arg10 : memref<!tpu.dma_semaphore, #tpu.memory_space<semaphore_mem>>)
      %mul3A_314 = arith.constant 16 : i32
      %mul3A_315 = arith.muli %scan3A_19, %mul3A_314 : i32
      %add3A_316 = arith.constant 9 : i32
      %add3A_317 = arith.addi %mul3A_315, %add3A_316 : i32
      %slice3A_318 = vector.extract_strided_slice %get3A_23 {offsets = [9], sizes = [1], strides = [1]} : vector<16xi32> to vector<1xi32>
      %squeeze3A_319 = vector.extract %slice3A_318[0] : i32 from vector<1xi32>
      %dma_start3A_320 = arith.constant 0 : i32
      %dma_start3A_321 = tpu.memref_slice %arg9[%add3A_317, %dma_start3A_320] : memref<512x128xf32, #tpu.memory_space<vmem>> -> memref<1x33xf32, #tpu.memory_space<vmem>>
      %dma_start3A_322 = tpu.memref_squeeze %dma_start3A_321 : memref<1x33xf32, #tpu.memory_space<vmem>> -> memref<33xf32, #tpu.memory_space<vmem>>
      %dma_start3A_323 = arith.constant 0 : i32
      %dma_start3A_324 = tpu.memref_slice %arg4[%squeeze3A_319, %dma_start3A_323] : memref<1000000x33xf32, #tpu.memory_space<hbm>> -> memref<1x33xf32, #tpu.memory_space<hbm>>
      %dma_start3A_325 = tpu.memref_squeeze %dma_start3A_324 : memref<1x33xf32, #tpu.memory_space<hbm>> -> memref<33xf32, #tpu.memory_space<hbm>>
      %dma_start3A_326 = arith.constant 0 : i32
      %dma_start3A_327 = tpu.memref_slice %arg9[%add3A_317, %dma_start3A_326] : memref<512x128xf32, #tpu.memory_space<vmem>> -> memref<1x33xf32, #tpu.memory_space<vmem>>
      %dma_start3A_328 = tpu.memref_squeeze %dma_start3A_327 : memref<1x33xf32, #tpu.memory_space<vmem>> -> memref<33xf32, #tpu.memory_space<vmem>>
      %dma_start3A_329 = arith.constant 0 : i32
      %dma_start3A_330 = tpu.memref_slice %arg4[%squeeze3A_319, %dma_start3A_329] : memref<1000000x33xf32, #tpu.memory_space<hbm>> -> memref<1x33xf32, #tpu.memory_space<hbm>>
      %dma_start3A_331 = tpu.memref_squeeze %dma_start3A_330 : memref<1x33xf32, #tpu.memory_space<hbm>> -> memref<33xf32, #tpu.memory_space<hbm>>
      tpu.enqueue_dma source(%dma_start3A_331 : memref<33xf32, #tpu.memory_space<hbm>>) target(%dma_start3A_328 : memref<33xf32, #tpu.memory_space<vmem>>) target_semaphore(%arg10 : memref<!tpu.dma_semaphore, #tpu.memory_space<semaphore_mem>>)
      %slice3A_332 = vector.extract_strided_slice %get3A_28 {offsets = [9], sizes = [1], strides = [1]} : vector<16xi32> to vector<1xi32>
      %squeeze3A_333 = vector.extract %slice3A_332[0] : i32 from vector<1xi32>
      %dma_start3A_334 = arith.constant 40 : i32
      %dma_start3A_335 = tpu.memref_slice %arg9[%add3A_317, %dma_start3A_334] : memref<512x128xf32, #tpu.memory_space<vmem>> -> memref<1x33xf32, #tpu.memory_space<vmem>>
      %dma_start3A_336 = tpu.memref_squeeze %dma_start3A_335 : memref<1x33xf32, #tpu.memory_space<vmem>> -> memref<33xf32, #tpu.memory_space<vmem>>
      %dma_start3A_337 = arith.constant 0 : i32
      %dma_start3A_338 = tpu.memref_slice %arg5[%squeeze3A_333, %dma_start3A_337] : memref<1000000x33xf32, #tpu.memory_space<hbm>> -> memref<1x33xf32, #tpu.memory_space<hbm>>
      %dma_start3A_339 = tpu.memref_squeeze %dma_start3A_338 : memref<1x33xf32, #tpu.memory_space<hbm>> -> memref<33xf32, #tpu.memory_space<hbm>>
      %dma_start3A_340 = arith.constant 40 : i32
      %dma_start3A_341 = tpu.memref_slice %arg9[%add3A_317, %dma_start3A_340] : memref<512x128xf32, #tpu.memory_space<vmem>> -> memref<1x33xf32, #tpu.memory_space<vmem>>
      %dma_start3A_342 = tpu.memref_squeeze %dma_start3A_341 : memref<1x33xf32, #tpu.memory_space<vmem>> -> memref<33xf32, #tpu.memory_space<vmem>>
      %dma_start3A_343 = arith.constant 0 : i32
      %dma_start3A_344 = tpu.memref_slice %arg5[%squeeze3A_333, %dma_start3A_343] : memref<1000000x33xf32, #tpu.memory_space<hbm>> -> memref<1x33xf32, #tpu.memory_space<hbm>>
      %dma_start3A_345 = tpu.memref_squeeze %dma_start3A_344 : memref<1x33xf32, #tpu.memory_space<hbm>> -> memref<33xf32, #tpu.memory_space<hbm>>
      tpu.enqueue_dma source(%dma_start3A_345 : memref<33xf32, #tpu.memory_space<hbm>>) target(%dma_start3A_342 : memref<33xf32, #tpu.memory_space<vmem>>) target_semaphore(%arg10 : memref<!tpu.dma_semaphore, #tpu.memory_space<semaphore_mem>>)
      %mul3A_346 = arith.constant 16 : i32
      %mul3A_347 = arith.muli %scan3A_19, %mul3A_346 : i32
      %add3A_348 = arith.constant 10 : i32
      %add3A_349 = arith.addi %mul3A_347, %add3A_348 : i32
      %slice3A_350 = vector.extract_strided_slice %get3A_23 {offsets = [10], sizes = [1], strides = [1]} : vector<16xi32> to vector<1xi32>
      %squeeze3A_351 = vector.extract %slice3A_350[0] : i32 from vector<1xi32>
      %dma_start3A_352 = arith.constant 0 : i32
      %dma_start3A_353 = tpu.memref_slice %arg9[%add3A_349, %dma_start3A_352] : memref<512x128xf32, #tpu.memory_space<vmem>> -> memref<1x33xf32, #tpu.memory_space<vmem>>
      %dma_start3A_354 = tpu.memref_squeeze %dma_start3A_353 : memref<1x33xf32, #tpu.memory_space<vmem>> -> memref<33xf32, #tpu.memory_space<vmem>>
      %dma_start3A_355 = arith.constant 0 : i32
      %dma_start3A_356 = tpu.memref_slice %arg4[%squeeze3A_351, %dma_start3A_355] : memref<1000000x33xf32, #tpu.memory_space<hbm>> -> memref<1x33xf32, #tpu.memory_space<hbm>>
      %dma_start3A_357 = tpu.memref_squeeze %dma_start3A_356 : memref<1x33xf32, #tpu.memory_space<hbm>> -> memref<33xf32, #tpu.memory_space<hbm>>
      %dma_start3A_358 = arith.constant 0 : i32
      %dma_start3A_359 = tpu.memref_slice %arg9[%add3A_349, %dma_start3A_358] : memref<512x128xf32, #tpu.memory_space<vmem>> -> memref<1x33xf32, #tpu.memory_space<vmem>>
      %dma_start3A_360 = tpu.memref_squeeze %dma_start3A_359 : memref<1x33xf32, #tpu.memory_space<vmem>> -> memref<33xf32, #tpu.memory_space<vmem>>
      %dma_start3A_361 = arith.constant 0 : i32
      %dma_start3A_362 = tpu.memref_slice %arg4[%squeeze3A_351, %dma_start3A_361] : memref<1000000x33xf32, #tpu.memory_space<hbm>> -> memref<1x33xf32, #tpu.memory_space<hbm>>
      %dma_start3A_363 = tpu.memref_squeeze %dma_start3A_362 : memref<1x33xf32, #tpu.memory_space<hbm>> -> memref<33xf32, #tpu.memory_space<hbm>>
      tpu.enqueue_dma source(%dma_start3A_363 : memref<33xf32, #tpu.memory_space<hbm>>) target(%dma_start3A_360 : memref<33xf32, #tpu.memory_space<vmem>>) target_semaphore(%arg10 : memref<!tpu.dma_semaphore, #tpu.memory_space<semaphore_mem>>)
      %slice3A_364 = vector.extract_strided_slice %get3A_28 {offsets = [10], sizes = [1], strides = [1]} : vector<16xi32> to vector<1xi32>
      %squeeze3A_365 = vector.extract %slice3A_364[0] : i32 from vector<1xi32>
      %dma_start3A_366 = arith.constant 40 : i32
      %dma_start3A_367 = tpu.memref_slice %arg9[%add3A_349, %dma_start3A_366] : memref<512x128xf32, #tpu.memory_space<vmem>> -> memref<1x33xf32, #tpu.memory_space<vmem>>
      %dma_start3A_368 = tpu.memref_squeeze %dma_start3A_367 : memref<1x33xf32, #tpu.memory_space<vmem>> -> memref<33xf32, #tpu.memory_space<vmem>>
      %dma_start3A_369 = arith.constant 0 : i32
      %dma_start3A_370 = tpu.memref_slice %arg5[%squeeze3A_365, %dma_start3A_369] : memref<1000000x33xf32, #tpu.memory_space<hbm>> -> memref<1x33xf32, #tpu.memory_space<hbm>>
      %dma_start3A_371 = tpu.memref_squeeze %dma_start3A_370 : memref<1x33xf32, #tpu.memory_space<hbm>> -> memref<33xf32, #tpu.memory_space<hbm>>
      %dma_start3A_372 = arith.constant 40 : i32
      %dma_start3A_373 = tpu.memref_slice %arg9[%add3A_349, %dma_start3A_372] : memref<512x128xf32, #tpu.memory_space<vmem>> -> memref<1x33xf32, #tpu.memory_space<vmem>>
      %dma_start3A_374 = tpu.memref_squeeze %dma_start3A_373 : memref<1x33xf32, #tpu.memory_space<vmem>> -> memref<33xf32, #tpu.memory_space<vmem>>
      %dma_start3A_375 = arith.constant 0 : i32
      %dma_start3A_376 = tpu.memref_slice %arg5[%squeeze3A_365, %dma_start3A_375] : memref<1000000x33xf32, #tpu.memory_space<hbm>> -> memref<1x33xf32, #tpu.memory_space<hbm>>
      %dma_start3A_377 = tpu.memref_squeeze %dma_start3A_376 : memref<1x33xf32, #tpu.memory_space<hbm>> -> memref<33xf32, #tpu.memory_space<hbm>>
      tpu.enqueue_dma source(%dma_start3A_377 : memref<33xf32, #tpu.memory_space<hbm>>) target(%dma_start3A_374 : memref<33xf32, #tpu.memory_space<vmem>>) target_semaphore(%arg10 : memref<!tpu.dma_semaphore, #tpu.memory_space<semaphore_mem>>)
      %mul3A_378 = arith.constant 16 : i32
      %mul3A_379 = arith.muli %scan3A_19, %mul3A_378 : i32
      %add3A_380 = arith.constant 11 : i32
      %add3A_381 = arith.addi %mul3A_379, %add3A_380 : i32
      %slice3A_382 = vector.extract_strided_slice %get3A_23 {offsets = [11], sizes = [1], strides = [1]} : vector<16xi32> to vector<1xi32>
      %squeeze3A_383 = vector.extract %slice3A_382[0] : i32 from vector<1xi32>
      %dma_start3A_384 = arith.constant 0 : i32
      %dma_start3A_385 = tpu.memref_slice %arg9[%add3A_381, %dma_start3A_384] : memref<512x128xf32, #tpu.memory_space<vmem>> -> memref<1x33xf32, #tpu.memory_space<vmem>>
      %dma_start3A_386 = tpu.memref_squeeze %dma_start3A_385 : memref<1x33xf32, #tpu.memory_space<vmem>> -> memref<33xf32, #tpu.memory_space<vmem>>
      %dma_start3A_387 = arith.constant 0 : i32
      %dma_start3A_388 = tpu.memref_slice %arg4[%squeeze3A_383, %dma_start3A_387] : memref<1000000x33xf32, #tpu.memory_space<hbm>> -> memref<1x33xf32, #tpu.memory_space<hbm>>
      %dma_start3A_389 = tpu.memref_squeeze %dma_start3A_388 : memref<1x33xf32, #tpu.memory_space<hbm>> -> memref<33xf32, #tpu.memory_space<hbm>>
      %dma_start3A_390 = arith.constant 0 : i32
      %dma_start3A_391 = tpu.memref_slice %arg9[%add3A_381, %dma_start3A_390] : memref<512x128xf32, #tpu.memory_space<vmem>> -> memref<1x33xf32, #tpu.memory_space<vmem>>
      %dma_start3A_392 = tpu.memref_squeeze %dma_start3A_391 : memref<1x33xf32, #tpu.memory_space<vmem>> -> memref<33xf32, #tpu.memory_space<vmem>>
      %dma_start3A_393 = arith.constant 0 : i32
      %dma_start3A_394 = tpu.memref_slice %arg4[%squeeze3A_383, %dma_start3A_393] : memref<1000000x33xf32, #tpu.memory_space<hbm>> -> memref<1x33xf32, #tpu.memory_space<hbm>>
      %dma_start3A_395 = tpu.memref_squeeze %dma_start3A_394 : memref<1x33xf32, #tpu.memory_space<hbm>> -> memref<33xf32, #tpu.memory_space<hbm>>
      tpu.enqueue_dma source(%dma_start3A_395 : memref<33xf32, #tpu.memory_space<hbm>>) target(%dma_start3A_392 : memref<33xf32, #tpu.memory_space<vmem>>) target_semaphore(%arg10 : memref<!tpu.dma_semaphore, #tpu.memory_space<semaphore_mem>>)
      %slice3A_396 = vector.extract_strided_slice %get3A_28 {offsets = [11], sizes = [1], strides = [1]} : vector<16xi32> to vector<1xi32>
      %squeeze3A_397 = vector.extract %slice3A_396[0] : i32 from vector<1xi32>
      %dma_start3A_398 = arith.constant 40 : i32
      %dma_start3A_399 = tpu.memref_slice %arg9[%add3A_381, %dma_start3A_398] : memref<512x128xf32, #tpu.memory_space<vmem>> -> memref<1x33xf32, #tpu.memory_space<vmem>>
      %dma_start3A_400 = tpu.memref_squeeze %dma_start3A_399 : memref<1x33xf32, #tpu.memory_space<vmem>> -> memref<33xf32, #tpu.memory_space<vmem>>
      %dma_start3A_401 = arith.constant 0 : i32
      %dma_start3A_402 = tpu.memref_slice %arg5[%squeeze3A_397, %dma_start3A_401] : memref<1000000x33xf32, #tpu.memory_space<hbm>> -> memref<1x33xf32, #tpu.memory_space<hbm>>
      %dma_start3A_403 = tpu.memref_squeeze %dma_start3A_402 : memref<1x33xf32, #tpu.memory_space<hbm>> -> memref<33xf32, #tpu.memory_space<hbm>>
      %dma_start3A_404 = arith.constant 40 : i32
      %dma_start3A_405 = tpu.memref_slice %arg9[%add3A_381, %dma_start3A_404] : memref<512x128xf32, #tpu.memory_space<vmem>> -> memref<1x33xf32, #tpu.memory_space<vmem>>
      %dma_start3A_406 = tpu.memref_squeeze %dma_start3A_405 : memref<1x33xf32, #tpu.memory_space<vmem>> -> memref<33xf32, #tpu.memory_space<vmem>>
      %dma_start3A_407 = arith.constant 0 : i32
      %dma_start3A_408 = tpu.memref_slice %arg5[%squeeze3A_397, %dma_start3A_407] : memref<1000000x33xf32, #tpu.memory_space<hbm>> -> memref<1x33xf32, #tpu.memory_space<hbm>>
      %dma_start3A_409 = tpu.memref_squeeze %dma_start3A_408 : memref<1x33xf32, #tpu.memory_space<hbm>> -> memref<33xf32, #tpu.memory_space<hbm>>
      tpu.enqueue_dma source(%dma_start3A_409 : memref<33xf32, #tpu.memory_space<hbm>>) target(%dma_start3A_406 : memref<33xf32, #tpu.memory_space<vmem>>) target_semaphore(%arg10 : memref<!tpu.dma_semaphore, #tpu.memory_space<semaphore_mem>>)
      %mul3A_410 = arith.constant 16 : i32
      %mul3A_411 = arith.muli %scan3A_19, %mul3A_410 : i32
      %add3A_412 = arith.constant 12 : i32
      %add3A_413 = arith.addi %mul3A_411, %add3A_412 : i32
      %slice3A_414 = vector.extract_strided_slice %get3A_23 {offsets = [12], sizes = [1], strides = [1]} : vector<16xi32> to vector<1xi32>
      %squeeze3A_415 = vector.extract %slice3A_414[0] : i32 from vector<1xi32>
      %dma_start3A_416 = arith.constant 0 : i32
      %dma_start3A_417 = tpu.memref_slice %arg9[%add3A_413, %dma_start3A_416] : memref<512x128xf32, #tpu.memory_space<vmem>> -> memref<1x33xf32, #tpu.memory_space<vmem>>
      %dma_start3A_418 = tpu.memref_squeeze %dma_start3A_417 : memref<1x33xf32, #tpu.memory_space<vmem>> -> memref<33xf32, #tpu.memory_space<vmem>>
      %dma_start3A_419 = arith.constant 0 : i32
      %dma_start3A_420 = tpu.memref_slice %arg4[%squeeze3A_415, %dma_start3A_419] : memref<1000000x33xf32, #tpu.memory_space<hbm>> -> memref<1x33xf32, #tpu.memory_space<hbm>>
      %dma_start3A_421 = tpu.memref_squeeze %dma_start3A_420 : memref<1x33xf32, #tpu.memory_space<hbm>> -> memref<33xf32, #tpu.memory_space<hbm>>
      %dma_start3A_422 = arith.constant 0 : i32
      %dma_start3A_423 = tpu.memref_slice %arg9[%add3A_413, %dma_start3A_422] : memref<512x128xf32, #tpu.memory_space<vmem>> -> memref<1x33xf32, #tpu.memory_space<vmem>>
      %dma_start3A_424 = tpu.memref_squeeze %dma_start3A_423 : memref<1x33xf32, #tpu.memory_space<vmem>> -> memref<33xf32, #tpu.memory_space<vmem>>
      %dma_start3A_425 = arith.constant 0 : i32
      %dma_start3A_426 = tpu.memref_slice %arg4[%squeeze3A_415, %dma_start3A_425] : memref<1000000x33xf32, #tpu.memory_space<hbm>> -> memref<1x33xf32, #tpu.memory_space<hbm>>
      %dma_start3A_427 = tpu.memref_squeeze %dma_start3A_426 : memref<1x33xf32, #tpu.memory_space<hbm>> -> memref<33xf32, #tpu.memory_space<hbm>>
      tpu.enqueue_dma source(%dma_start3A_427 : memref<33xf32, #tpu.memory_space<hbm>>) target(%dma_start3A_424 : memref<33xf32, #tpu.memory_space<vmem>>) target_semaphore(%arg10 : memref<!tpu.dma_semaphore, #tpu.memory_space<semaphore_mem>>)
      %slice3A_428 = vector.extract_strided_slice %get3A_28 {offsets = [12], sizes = [1], strides = [1]} : vector<16xi32> to vector<1xi32>
      %squeeze3A_429 = vector.extract %slice3A_428[0] : i32 from vector<1xi32>
      %dma_start3A_430 = arith.constant 40 : i32
      %dma_start3A_431 = tpu.memref_slice %arg9[%add3A_413, %dma_start3A_430] : memref<512x128xf32, #tpu.memory_space<vmem>> -> memref<1x33xf32, #tpu.memory_space<vmem>>
      %dma_start3A_432 = tpu.memref_squeeze %dma_start3A_431 : memref<1x33xf32, #tpu.memory_space<vmem>> -> memref<33xf32, #tpu.memory_space<vmem>>
      %dma_start3A_433 = arith.constant 0 : i32
      %dma_start3A_434 = tpu.memref_slice %arg5[%squeeze3A_429, %dma_start3A_433] : memref<1000000x33xf32, #tpu.memory_space<hbm>> -> memref<1x33xf32, #tpu.memory_space<hbm>>
      %dma_start3A_435 = tpu.memref_squeeze %dma_start3A_434 : memref<1x33xf32, #tpu.memory_space<hbm>> -> memref<33xf32, #tpu.memory_space<hbm>>
      %dma_start3A_436 = arith.constant 40 : i32
      %dma_start3A_437 = tpu.memref_slice %arg9[%add3A_413, %dma_start3A_436] : memref<512x128xf32, #tpu.memory_space<vmem>> -> memref<1x33xf32, #tpu.memory_space<vmem>>
      %dma_start3A_438 = tpu.memref_squeeze %dma_start3A_437 : memref<1x33xf32, #tpu.memory_space<vmem>> -> memref<33xf32, #tpu.memory_space<vmem>>
      %dma_start3A_439 = arith.constant 0 : i32
      %dma_start3A_440 = tpu.memref_slice %arg5[%squeeze3A_429, %dma_start3A_439] : memref<1000000x33xf32, #tpu.memory_space<hbm>> -> memref<1x33xf32, #tpu.memory_space<hbm>>
      %dma_start3A_441 = tpu.memref_squeeze %dma_start3A_440 : memref<1x33xf32, #tpu.memory_space<hbm>> -> memref<33xf32, #tpu.memory_space<hbm>>
      tpu.enqueue_dma source(%dma_start3A_441 : memref<33xf32, #tpu.memory_space<hbm>>) target(%dma_start3A_438 : memref<33xf32, #tpu.memory_space<vmem>>) target_semaphore(%arg10 : memref<!tpu.dma_semaphore, #tpu.memory_space<semaphore_mem>>)
      %mul3A_442 = arith.constant 16 : i32
      %mul3A_443 = arith.muli %scan3A_19, %mul3A_442 : i32
      %add3A_444 = arith.constant 13 : i32
      %add3A_445 = arith.addi %mul3A_443, %add3A_444 : i32
      %slice3A_446 = vector.extract_strided_slice %get3A_23 {offsets = [13], sizes = [1], strides = [1]} : vector<16xi32> to vector<1xi32>
      %squeeze3A_447 = vector.extract %slice3A_446[0] : i32 from vector<1xi32>
      %dma_start3A_448 = arith.constant 0 : i32
      %dma_start3A_449 = tpu.memref_slice %arg9[%add3A_445, %dma_start3A_448] : memref<512x128xf32, #tpu.memory_space<vmem>> -> memref<1x33xf32, #tpu.memory_space<vmem>>
      %dma_start3A_450 = tpu.memref_squeeze %dma_start3A_449 : memref<1x33xf32, #tpu.memory_space<vmem>> -> memref<33xf32, #tpu.memory_space<vmem>>
      %dma_start3A_451 = arith.constant 0 : i32
      %dma_start3A_452 = tpu.memref_slice %arg4[%squeeze3A_447, %dma_start3A_451] : memref<1000000x33xf32, #tpu.memory_space<hbm>> -> memref<1x33xf32, #tpu.memory_space<hbm>>
      %dma_start3A_453 = tpu.memref_squeeze %dma_start3A_452 : memref<1x33xf32, #tpu.memory_space<hbm>> -> memref<33xf32, #tpu.memory_space<hbm>>
      %dma_start3A_454 = arith.constant 0 : i32
      %dma_start3A_455 = tpu.memref_slice %arg9[%add3A_445, %dma_start3A_454] : memref<512x128xf32, #tpu.memory_space<vmem>> -> memref<1x33xf32, #tpu.memory_space<vmem>>
      %dma_start3A_456 = tpu.memref_squeeze %dma_start3A_455 : memref<1x33xf32, #tpu.memory_space<vmem>> -> memref<33xf32, #tpu.memory_space<vmem>>
      %dma_start3A_457 = arith.constant 0 : i32
      %dma_start3A_458 = tpu.memref_slice %arg4[%squeeze3A_447, %dma_start3A_457] : memref<1000000x33xf32, #tpu.memory_space<hbm>> -> memref<1x33xf32, #tpu.memory_space<hbm>>
      %dma_start3A_459 = tpu.memref_squeeze %dma_start3A_458 : memref<1x33xf32, #tpu.memory_space<hbm>> -> memref<33xf32, #tpu.memory_space<hbm>>
      tpu.enqueue_dma source(%dma_start3A_459 : memref<33xf32, #tpu.memory_space<hbm>>) target(%dma_start3A_456 : memref<33xf32, #tpu.memory_space<vmem>>) target_semaphore(%arg10 : memref<!tpu.dma_semaphore, #tpu.memory_space<semaphore_mem>>)
      %slice3A_460 = vector.extract_strided_slice %get3A_28 {offsets = [13], sizes = [1], strides = [1]} : vector<16xi32> to vector<1xi32>
      %squeeze3A_461 = vector.extract %slice3A_460[0] : i32 from vector<1xi32>
      %dma_start3A_462 = arith.constant 40 : i32
      %dma_start3A_463 = tpu.memref_slice %arg9[%add3A_445, %dma_start3A_462] : memref<512x128xf32, #tpu.memory_space<vmem>> -> memref<1x33xf32, #tpu.memory_space<vmem>>
      %dma_start3A_464 = tpu.memref_squeeze %dma_start3A_463 : memref<1x33xf32, #tpu.memory_space<vmem>> -> memref<33xf32, #tpu.memory_space<vmem>>
      %dma_start3A_465 = arith.constant 0 : i32
      %dma_start3A_466 = tpu.memref_slice %arg5[%squeeze3A_461, %dma_start3A_465] : memref<1000000x33xf32, #tpu.memory_space<hbm>> -> memref<1x33xf32, #tpu.memory_space<hbm>>
      %dma_start3A_467 = tpu.memref_squeeze %dma_start3A_466 : memref<1x33xf32, #tpu.memory_space<hbm>> -> memref<33xf32, #tpu.memory_space<hbm>>
      %dma_start3A_468 = arith.constant 40 : i32
      %dma_start3A_469 = tpu.memref_slice %arg9[%add3A_445, %dma_start3A_468] : memref<512x128xf32, #tpu.memory_space<vmem>> -> memref<1x33xf32, #tpu.memory_space<vmem>>
      %dma_start3A_470 = tpu.memref_squeeze %dma_start3A_469 : memref<1x33xf32, #tpu.memory_space<vmem>> -> memref<33xf32, #tpu.memory_space<vmem>>
      %dma_start3A_471 = arith.constant 0 : i32
      %dma_start3A_472 = tpu.memref_slice %arg5[%squeeze3A_461, %dma_start3A_471] : memref<1000000x33xf32, #tpu.memory_space<hbm>> -> memref<1x33xf32, #tpu.memory_space<hbm>>
      %dma_start3A_473 = tpu.memref_squeeze %dma_start3A_472 : memref<1x33xf32, #tpu.memory_space<hbm>> -> memref<33xf32, #tpu.memory_space<hbm>>
      tpu.enqueue_dma source(%dma_start3A_473 : memref<33xf32, #tpu.memory_space<hbm>>) target(%dma_start3A_470 : memref<33xf32, #tpu.memory_space<vmem>>) target_semaphore(%arg10 : memref<!tpu.dma_semaphore, #tpu.memory_space<semaphore_mem>>)
      %mul3A_474 = arith.constant 16 : i32
      %mul3A_475 = arith.muli %scan3A_19, %mul3A_474 : i32
      %add3A_476 = arith.constant 14 : i32
      %add3A_477 = arith.addi %mul3A_475, %add3A_476 : i32
      %slice3A_478 = vector.extract_strided_slice %get3A_23 {offsets = [14], sizes = [1], strides = [1]} : vector<16xi32> to vector<1xi32>
      %squeeze3A_479 = vector.extract %slice3A_478[0] : i32 from vector<1xi32>
      %dma_start3A_480 = arith.constant 0 : i32
      %dma_start3A_481 = tpu.memref_slice %arg9[%add3A_477, %dma_start3A_480] : memref<512x128xf32, #tpu.memory_space<vmem>> -> memref<1x33xf32, #tpu.memory_space<vmem>>
      %dma_start3A_482 = tpu.memref_squeeze %dma_start3A_481 : memref<1x33xf32, #tpu.memory_space<vmem>> -> memref<33xf32, #tpu.memory_space<vmem>>
      %dma_start3A_483 = arith.constant 0 : i32
      %dma_start3A_484 = tpu.memref_slice %arg4[%squeeze3A_479, %dma_start3A_483] : memref<1000000x33xf32, #tpu.memory_space<hbm>> -> memref<1x33xf32, #tpu.memory_space<hbm>>
      %dma_start3A_485 = tpu.memref_squeeze %dma_start3A_484 : memref<1x33xf32, #tpu.memory_space<hbm>> -> memref<33xf32, #tpu.memory_space<hbm>>
      %dma_start3A_486 = arith.constant 0 : i32
      %dma_start3A_487 = tpu.memref_slice %arg9[%add3A_477, %dma_start3A_486] : memref<512x128xf32, #tpu.memory_space<vmem>> -> memref<1x33xf32, #tpu.memory_space<vmem>>
      %dma_start3A_488 = tpu.memref_squeeze %dma_start3A_487 : memref<1x33xf32, #tpu.memory_space<vmem>> -> memref<33xf32, #tpu.memory_space<vmem>>
      %dma_start3A_489 = arith.constant 0 : i32
      %dma_start3A_490 = tpu.memref_slice %arg4[%squeeze3A_479, %dma_start3A_489] : memref<1000000x33xf32, #tpu.memory_space<hbm>> -> memref<1x33xf32, #tpu.memory_space<hbm>>
      %dma_start3A_491 = tpu.memref_squeeze %dma_start3A_490 : memref<1x33xf32, #tpu.memory_space<hbm>> -> memref<33xf32, #tpu.memory_space<hbm>>
      tpu.enqueue_dma source(%dma_start3A_491 : memref<33xf32, #tpu.memory_space<hbm>>) target(%dma_start3A_488 : memref<33xf32, #tpu.memory_space<vmem>>) target_semaphore(%arg10 : memref<!tpu.dma_semaphore, #tpu.memory_space<semaphore_mem>>)
      %slice3A_492 = vector.extract_strided_slice %get3A_28 {offsets = [14], sizes = [1], strides = [1]} : vector<16xi32> to vector<1xi32>
      %squeeze3A_493 = vector.extract %slice3A_492[0] : i32 from vector<1xi32>
      %dma_start3A_494 = arith.constant 40 : i32
      %dma_start3A_495 = tpu.memref_slice %arg9[%add3A_477, %dma_start3A_494] : memref<512x128xf32, #tpu.memory_space<vmem>> -> memref<1x33xf32, #tpu.memory_space<vmem>>
      %dma_start3A_496 = tpu.memref_squeeze %dma_start3A_495 : memref<1x33xf32, #tpu.memory_space<vmem>> -> memref<33xf32, #tpu.memory_space<vmem>>
      %dma_start3A_497 = arith.constant 0 : i32
      %dma_start3A_498 = tpu.memref_slice %arg5[%squeeze3A_493, %dma_start3A_497] : memref<1000000x33xf32, #tpu.memory_space<hbm>> -> memref<1x33xf32, #tpu.memory_space<hbm>>
      %dma_start3A_499 = tpu.memref_squeeze %dma_start3A_498 : memref<1x33xf32, #tpu.memory_space<hbm>> -> memref<33xf32, #tpu.memory_space<hbm>>
      %dma_start3A_500 = arith.constant 40 : i32
      %dma_start3A_501 = tpu.memref_slice %arg9[%add3A_477, %dma_start3A_500] : memref<512x128xf32, #tpu.memory_space<vmem>> -> memref<1x33xf32, #tpu.memory_space<vmem>>
      %dma_start3A_502 = tpu.memref_squeeze %dma_start3A_501 : memref<1x33xf32, #tpu.memory_space<vmem>> -> memref<33xf32, #tpu.memory_space<vmem>>
      %dma_start3A_503 = arith.constant 0 : i32
      %dma_start3A_504 = tpu.memref_slice %arg5[%squeeze3A_493, %dma_start3A_503] : memref<1000000x33xf32, #tpu.memory_space<hbm>> -> memref<1x33xf32, #tpu.memory_space<hbm>>
      %dma_start3A_505 = tpu.memref_squeeze %dma_start3A_504 : memref<1x33xf32, #tpu.memory_space<hbm>> -> memref<33xf32, #tpu.memory_space<hbm>>
      tpu.enqueue_dma source(%dma_start3A_505 : memref<33xf32, #tpu.memory_space<hbm>>) target(%dma_start3A_502 : memref<33xf32, #tpu.memory_space<vmem>>) target_semaphore(%arg10 : memref<!tpu.dma_semaphore, #tpu.memory_space<semaphore_mem>>)
      %mul3A_506 = arith.constant 16 : i32
      %mul3A_507 = arith.muli %scan3A_19, %mul3A_506 : i32
      %add3A_508 = arith.constant 15 : i32
      %add3A_509 = arith.addi %mul3A_507, %add3A_508 : i32
      %slice3A_510 = vector.extract_strided_slice %get3A_23 {offsets = [15], sizes = [1], strides = [1]} : vector<16xi32> to vector<1xi32>
      %squeeze3A_511 = vector.extract %slice3A_510[0] : i32 from vector<1xi32>
      %dma_start3A_512 = arith.constant 0 : i32
      %dma_start3A_513 = tpu.memref_slice %arg9[%add3A_509, %dma_start3A_512] : memref<512x128xf32, #tpu.memory_space<vmem>> -> memref<1x33xf32, #tpu.memory_space<vmem>>
      %dma_start3A_514 = tpu.memref_squeeze %dma_start3A_513 : memref<1x33xf32, #tpu.memory_space<vmem>> -> memref<33xf32, #tpu.memory_space<vmem>>
      %dma_start3A_515 = arith.constant 0 : i32
      %dma_start3A_516 = tpu.memref_slice %arg4[%squeeze3A_511, %dma_start3A_515] : memref<1000000x33xf32, #tpu.memory_space<hbm>> -> memref<1x33xf32, #tpu.memory_space<hbm>>
      %dma_start3A_517 = tpu.memref_squeeze %dma_start3A_516 : memref<1x33xf32, #tpu.memory_space<hbm>> -> memref<33xf32, #tpu.memory_space<hbm>>
      %dma_start3A_518 = arith.constant 0 : i32
      %dma_start3A_519 = tpu.memref_slice %arg9[%add3A_509, %dma_start3A_518] : memref<512x128xf32, #tpu.memory_space<vmem>> -> memref<1x33xf32, #tpu.memory_space<vmem>>
      %dma_start3A_520 = tpu.memref_squeeze %dma_start3A_519 : memref<1x33xf32, #tpu.memory_space<vmem>> -> memref<33xf32, #tpu.memory_space<vmem>>
      %dma_start3A_521 = arith.constant 0 : i32
      %dma_start3A_522 = tpu.memref_slice %arg4[%squeeze3A_511, %dma_start3A_521] : memref<1000000x33xf32, #tpu.memory_space<hbm>> -> memref<1x33xf32, #tpu.memory_space<hbm>>
      %dma_start3A_523 = tpu.memref_squeeze %dma_start3A_522 : memref<1x33xf32, #tpu.memory_space<hbm>> -> memref<33xf32, #tpu.memory_space<hbm>>
      tpu.enqueue_dma source(%dma_start3A_523 : memref<33xf32, #tpu.memory_space<hbm>>) target(%dma_start3A_520 : memref<33xf32, #tpu.memory_space<vmem>>) target_semaphore(%arg10 : memref<!tpu.dma_semaphore, #tpu.memory_space<semaphore_mem>>)
      %slice3A_524 = vector.extract_strided_slice %get3A_28 {offsets = [15], sizes = [1], strides = [1]} : vector<16xi32> to vector<1xi32>
      %squeeze3A_525 = vector.extract %slice3A_524[0] : i32 from vector<1xi32>
      %dma_start3A_526 = arith.constant 40 : i32
      %dma_start3A_527 = tpu.memref_slice %arg9[%add3A_509, %dma_start3A_526] : memref<512x128xf32, #tpu.memory_space<vmem>> -> memref<1x33xf32, #tpu.memory_space<vmem>>
      %dma_start3A_528 = tpu.memref_squeeze %dma_start3A_527 : memref<1x33xf32, #tpu.memory_space<vmem>> -> memref<33xf32, #tpu.memory_space<vmem>>
      %dma_start3A_529 = arith.constant 0 : i32
      %dma_start3A_530 = tpu.memref_slice %arg5[%squeeze3A_525, %dma_start3A_529] : memref<1000000x33xf32, #tpu.memory_space<hbm>> -> memref<1x33xf32, #tpu.memory_space<hbm>>
      %dma_start3A_531 = tpu.memref_squeeze %dma_start3A_530 : memref<1x33xf32, #tpu.memory_space<hbm>> -> memref<33xf32, #tpu.memory_space<hbm>>
      %dma_start3A_532 = arith.constant 40 : i32
      %dma_start3A_533 = tpu.memref_slice %arg9[%add3A_509, %dma_start3A_532] : memref<512x128xf32, #tpu.memory_space<vmem>> -> memref<1x33xf32, #tpu.memory_space<vmem>>
      %dma_start3A_534 = tpu.memref_squeeze %dma_start3A_533 : memref<1x33xf32, #tpu.memory_space<vmem>> -> memref<33xf32, #tpu.memory_space<vmem>>
      %dma_start3A_535 = arith.constant 0 : i32
      %dma_start3A_536 = tpu.memref_slice %arg5[%squeeze3A_525, %dma_start3A_535] : memref<1000000x33xf32, #tpu.memory_space<hbm>> -> memref<1x33xf32, #tpu.memory_space<hbm>>
      %dma_start3A_537 = tpu.memref_squeeze %dma_start3A_536 : memref<1x33xf32, #tpu.memory_space<hbm>> -> memref<33xf32, #tpu.memory_space<hbm>>
      tpu.enqueue_dma source(%dma_start3A_537 : memref<33xf32, #tpu.memory_space<hbm>>) target(%dma_start3A_534 : memref<33xf32, #tpu.memory_space<vmem>>) target_semaphore(%arg10 : memref<!tpu.dma_semaphore, #tpu.memory_space<semaphore_mem>>)
    }
    %scan3A_7 = arith.constant 32 : i32
    %dma_wait3A = arith.constant 0 : i32
    %dma_wait3A_8 = arith.constant 0 : i32
    %dma_wait3A_9 = tpu.memref_slice %arg9[%dma_wait3A, %dma_wait3A_8] : memref<512x128xf32, #tpu.memory_space<vmem>> -> memref<264x128xf32, #tpu.memory_space<vmem>>
    %dma_wait3A_10 = arith.constant 0 : i32
    %dma_wait3A_11 = arith.constant 0 : i32
    %dma_wait3A_12 = tpu.memref_slice %arg6[%dma_wait3A_10, %dma_wait3A_11] : memref<16384x128xf32, #tpu.memory_space<hbm>> -> memref<264x128xf32, #tpu.memory_space<hbm>>
    %dma_wait3A_13 = arith.constant 0 : i32
    %dma_wait3A_14 = arith.constant 0 : i32
    %dma_wait3A_15 = tpu.memref_slice %arg9[%dma_wait3A_13, %dma_wait3A_14] : memref<512x128xf32, #tpu.memory_space<vmem>> -> memref<264x128xf32, #tpu.memory_space<vmem>>
    %dma_wait3A_16 = arith.constant 0 : i32
    %dma_wait3A_17 = arith.constant 0 : i32
    %dma_wait3A_18 = tpu.memref_slice %arg6[%dma_wait3A_16, %dma_wait3A_17] : memref<16384x128xf32, #tpu.memory_space<hbm>> -> memref<264x128xf32, #tpu.memory_space<hbm>>
    tpu.wait_dma2 semaphore(%arg10 : memref<!tpu.dma_semaphore, #tpu.memory_space<semaphore_mem>>) src(%dma_wait3A_18 : memref<264x128xf32, #tpu.memory_space<hbm>>) dst(%dma_wait3A_15 : memref<264x128xf32, #tpu.memory_space<vmem>>)
    "tpu.region"() ({
      %run_scoped3A = tpu.sem_alloc : memref<!tpu.dma_semaphore, #tpu.memory_space<semaphore_mem>>
      %dma_start3A = arith.constant 0 : i32
      %dma_start3A_19 = tpu.memref_slice %arg6[%mul3A_2, %dma_start3A] : memref<16384x128xf32, #tpu.memory_space<hbm>> -> memref<512x128xf32, #tpu.memory_space<hbm>>
      %dma_start3A_20 = arith.constant 0 : i32
      %dma_start3A_21 = tpu.memref_slice %arg6[%mul3A_2, %dma_start3A_20] : memref<16384x128xf32, #tpu.memory_space<hbm>> -> memref<512x128xf32, #tpu.memory_space<hbm>>
      tpu.enqueue_dma source(%arg9 : memref<512x128xf32, #tpu.memory_space<vmem>>) target(%dma_start3A_21 : memref<512x128xf32, #tpu.memory_space<hbm>>) target_semaphore(%run_scoped3A : memref<!tpu.dma_semaphore, #tpu.memory_space<semaphore_mem>>)
      %dma_wait3A_22 = arith.constant 0 : i32
      %dma_wait3A_23 = tpu.memref_slice %arg6[%mul3A_2, %dma_wait3A_22] : memref<16384x128xf32, #tpu.memory_space<hbm>> -> memref<512x128xf32, #tpu.memory_space<hbm>>
      %dma_wait3A_24 = arith.constant 0 : i32
      %dma_wait3A_25 = tpu.memref_slice %arg6[%mul3A_2, %dma_wait3A_24] : memref<16384x128xf32, #tpu.memory_space<hbm>> -> memref<512x128xf32, #tpu.memory_space<hbm>>
      tpu.wait_dma2 semaphore(%run_scoped3A : memref<!tpu.dma_semaphore, #tpu.memory_space<semaphore_mem>>) src(%arg9 : memref<512x128xf32, #tpu.memory_space<vmem>>) dst(%dma_wait3A_25 : memref<512x128xf32, #tpu.memory_space<hbm>>)
      tpu.yield
    }) : () -> ()
    return
  }
}

module attributes {stable_mosaic.version = 14 : i64} {
  func.func @_combine_kernel(%arg0: i32, %arg1: memref<2048x128xf32, #tpu.memory_space<vmem>>, %arg2: memref<2048x26xf32, #tpu.memory_space<vmem>>, %arg3: memref<26x33xf32, #tpu.memory_space<vmem>>, %arg4: memref<1x1xf32, #tpu.memory_space<smem>>, %arg5: memref<2048xf32, #tpu.memory_space<vmem>>) attributes {dimension_semantics = [#tpu.dimension_semantics<arbitrary>], iteration_bounds = array<i64: 8>, scalar_prefetch = 0 : i64, scratch_operands = 0 : i64, tpu.core_type = #tpu.core_type<tc>, window_params = [{transform_indices = @transform_0, window_bounds = array<i64: 2048, 128>}, {transform_indices = @transform_1, window_bounds = array<i64: 2048, 26>}, {pipeline_mode = #tpu.pipeline_mode<synchronous>, transform_indices = @transform_2, window_bounds = array<i64: 26, 33>}, {transform_indices = @transform_3, window_bounds = array<i64: 1, 1>}, {transform_indices = @transform_4, window_bounds = array<i64: 2048>}]} {
    %get3A = arith.constant 0 : index
    %get3A_0 = arith.constant 0 : index
    %get3A_1 = vector.load %arg2[%get3A, %get3A_0] : memref<2048x26xf32, #tpu.memory_space<vmem>>, vector<2048x26xf32>
    %get3A_2 = arith.constant 0 : index
    %get3A_3 = arith.constant 0 : index
    %get3A_4 = vector.load %arg3[%get3A_2, %get3A_3] : memref<26x33xf32, #tpu.memory_space<vmem>>, vector<26x33xf32>
    %dot_general3A = arith.constant dense<0.000000e+00> : vector<2048x33xf32>
    %dot_general3A_5 = tpu.matmul %get3A_1, %get3A_4, %dot_general3A {dimension_numbers = #tpu.dot_dimension_numbers<[1], [0], [0], [1], [0, 0, 1, 1], [], []>, transpose_lhs_hint = false} : vector<2048x26xf32>, vector<26x33xf32>, vector<2048x33xf32> -> vector<2048x33xf32>
    %slice3A = vector.extract_strided_slice %dot_general3A_5 {offsets = [0, 0], sizes = [2048, 32], strides = [1, 1]} : vector<2048x33xf32> to vector<2048x32xf32>
    %slice3A_6 = vector.extract_strided_slice %dot_general3A_5 {offsets = [0, 32], sizes = [2048, 1], strides = [1, 1]} : vector<2048x33xf32> to vector<2048x1xf32>
    %squeeze3A = vector.shape_cast %slice3A_6 : vector<2048x1xf32> to vector<2048xf32>
    %slice3A_7 = vector.extract_strided_slice %get3A_4 {offsets = [0, 0], sizes = [26, 32], strides = [1, 1]} : vector<26x33xf32> to vector<26x32xf32>
    %mul3A = arith.mulf %slice3A_7, %slice3A_7 : vector<26x32xf32>
    %reduce_sum3A = arith.constant dense<0.000000e+00> : vector<26xf32>
    %reduce_sum3A_8 = vector.multi_reduction <add>, %mul3A, %reduce_sum3A [1] : vector<26x32xf32> to vector<26xf32>
    %broadcast_in_dim3A = vector.shape_cast %reduce_sum3A_8 : vector<26xf32> to vector<26x1xf32>
    %mul3A_9 = arith.mulf %get3A_1, %get3A_1 : vector<2048x26xf32>
    %dot_general3A_10 = arith.constant dense<0.000000e+00> : vector<2048x1xf32>
    %dot_general3A_11 = tpu.matmul %mul3A_9, %broadcast_in_dim3A, %dot_general3A_10 {dimension_numbers = #tpu.dot_dimension_numbers<[1], [0], [0], [1], [0, 0, 1, 1], [], []>, transpose_lhs_hint = false} : vector<2048x26xf32>, vector<26x1xf32>, vector<2048x1xf32> -> vector<2048x1xf32>
    %squeeze3A_12 = vector.shape_cast %dot_general3A_11 : vector<2048x1xf32> to vector<2048xf32>
    %get3A_13 = arith.constant 0 : index
    %get3A_14 = arith.constant 0 : index
    %get3A_15 = vector.load %arg1[%get3A_13, %get3A_14] : memref<2048x128xf32, #tpu.memory_space<vmem>>, vector<2048x32xf32>
    %get3A_16 = arith.constant 0 : index
    %get3A_17 = arith.constant 32 : index
    %get3A_18 = vector.load %arg1[%get3A_16, %get3A_17] : memref<2048x128xf32, #tpu.memory_space<vmem>>, vector<2048x1xf32>
    %get3A_19 = vector.shape_cast %get3A_18 : vector<2048x1xf32> to vector<2048xf32>
    %get3A_20 = arith.constant 0 : index
    %get3A_21 = arith.constant 40 : index
    %get3A_22 = vector.load %arg1[%get3A_20, %get3A_21] : memref<2048x128xf32, #tpu.memory_space<vmem>>, vector<2048x32xf32>
    %get3A_23 = arith.constant 0 : index
    %get3A_24 = arith.constant 72 : index
    %get3A_25 = vector.load %arg1[%get3A_23, %get3A_24] : memref<2048x128xf32, #tpu.memory_space<vmem>>, vector<2048x1xf32>
    %get3A_26 = vector.shape_cast %get3A_25 : vector<2048x1xf32> to vector<2048xf32>
    %add3A = arith.addf %get3A_15, %get3A_22 : vector<2048x32xf32>
    %add3A_27 = arith.addf %add3A, %slice3A : vector<2048x32xf32>
    %mul3A_28 = arith.mulf %add3A_27, %add3A_27 : vector<2048x32xf32>
    %mul3A_29 = arith.mulf %get3A_15, %get3A_15 : vector<2048x32xf32>
    %sub3A = arith.subf %mul3A_28, %mul3A_29 : vector<2048x32xf32>
    %mul3A_30 = arith.mulf %get3A_22, %get3A_22 : vector<2048x32xf32>
    %sub3A_31 = arith.subf %sub3A, %mul3A_30 : vector<2048x32xf32>
    %reduce_sum3A_32 = arith.constant dense<0.000000e+00> : vector<2048xf32>
    %reduce_sum3A_33 = vector.multi_reduction <add>, %sub3A_31, %reduce_sum3A_32 [1] : vector<2048x32xf32> to vector<2048xf32>
    %sub3A_34 = arith.subf %reduce_sum3A_33, %squeeze3A_12 : vector<2048xf32>
    %mul3A_35 = arith.constant 5.000000e-01 : f32
    %mul3A_36 = vector.broadcast %mul3A_35 : f32 to vector<2048xf32>
    %mul3A_37 = arith.mulf %mul3A_36, %sub3A_34 : vector<2048xf32>
    %get3A_38 = arith.constant 0 : index
    %get3A_39 = arith.constant 0 : index
    %get3A_40 = memref.load %arg4[%get3A_38, %get3A_39] : memref<1x1xf32, #tpu.memory_space<smem>>
    %add3A_41 = vector.broadcast %get3A_40 : f32 to vector<2048xf32>
    %add3A_42 = arith.addf %add3A_41, %get3A_19 : vector<2048xf32>
    %add3A_43 = arith.addf %add3A_42, %get3A_26 : vector<2048xf32>
    %add3A_44 = arith.addf %add3A_43, %squeeze3A : vector<2048xf32>
    %add3A_45 = arith.addf %add3A_44, %mul3A_37 : vector<2048xf32>
    %swap3A = arith.constant 0 : index
    %swap3A_46 = vector.load %arg5[%swap3A] : memref<2048xf32, #tpu.memory_space<vmem>>, vector<2048xf32>
    tpu.vector_store %arg5[%swap3A], %add3A_45 {strides = array<i32>} : memref<2048xf32, #tpu.memory_space<vmem>>, vector<2048xf32>,
    return
  }
  func.func @transform_0(%arg0: i32) -> (i32, i32) {
    %c0_i32 = arith.constant 0 : i32
    %c0_i32_0 = arith.constant 0 : i32
    return %arg0, %c0_i32 : i32, i32
  }
  func.func @transform_1(%arg0: i32) -> (i32, i32) {
    %c0_i32 = arith.constant 0 : i32
    %c0_i32_0 = arith.constant 0 : i32
    return %arg0, %c0_i32 : i32, i32
  }
  func.func @transform_2(%arg0: i32) -> (i32, i32) {
    %c0_i32 = arith.constant 0 : i32
    %c0_i32_0 = arith.constant 0 : i32
    %c0_i32_1 = arith.constant 0 : i32
    return %c0_i32, %c0_i32_0 : i32, i32
  }
  func.func @transform_3(%arg0: i32) -> (i32, i32) {
    %c0_i32 = arith.constant 0 : i32
    %c0_i32_0 = arith.constant 0 : i32
    %c0_i32_1 = arith.constant 0 : i32
    return %c0_i32, %c0_i32_0 : i32, i32
  }
  func.func @transform_4(%arg0: i32) -> i32 {
    %c0_i32 = arith.constant 0 : i32
    return %arg0 : i32
  }
}

</mosaic_0001>

<sc_bundles>
// kernel: _fm.4.cloned.1.call-start
scs
__scs_entry_jumppad:
0x0: {  	(pc) =	sbr.rel $0x88, $3  }
0x1: {  	(tag) =	ssettag $0x0;
	lr =	simm.s32 $0x1  }
0x2: {  	[smem:$0x3F9A] =	sst lr;
	_ =	strace $0xD0000000  }
0x3: {  	_ = 	snop  }
0x4: {  	_ = 	snop  }
0x5: {  	_ = 	snop  }
0x6: {  	_ = 	snop  }
0x7: {  	_ = 	snop  }
__scs_overlays_trampoline_lowered:
0x8: {  	[smem:$0x3FA9] =	sst s0  }
0x9: {  	[smem:$0x3FAA] =	sst s1  }
0xa: {  	[smem:$0x3FAB] =	sst s2  }
0xb: {  	[smem:$0x3FAC] =	sst s3  }
0xc: {  	[smem:$0x3FAD] =	sst s4  }
0xd: {  	[smem:$0x3FAE] =	sst s5  }
0xe: {  	[smem:$0x3FAF] =	sst s6  }
0xf: {  	[smem:$0x3FB0] =	sst s7  }
0x10: {  	[smem:$0x3FB1] =	sst s8  }
0x11: {  	[smem:$0x3FB2] =	sst s9;
	s0 =	simm.s32 @!p0 $0x0  }
0x12: {  	s1 =	sld [smem:$0x3F98];
	s0 =	simm.s32 @p0 $0x1  }
0x13: {  	[smem:$0x3FB3] =	sst s0;
	s0 =	simm.s32 @!p1 $0x0  }
0x14: {  	s2 =	sld [smem:$0x3F97];
	s0 =	simm.s32 @p1 $0x1  }
0x15: {  	[smem:$0x3FB4] =	sst s0;
	s0 =	simm.s32 @!p2 $0x0  }
0x16: {  	s3 =	sld [smem:$0x3FDB];
	s0 =	simm.s32 @p2 $0x1  }
0x17: {  	s4 =	simm.s32 $0x1BF5;
	[smem:$0x3FB6] =	sst s0  }
0x18: {  	s0 =	sld [smem:$0x3F99];
	_ =	swait.ge [sflag:s4], $0x0  }
0x19: {  	s7 =	sld [smem:$0x3F9A]  }
0x1a: {  	s8 =	sadd.s32 $0xFFFFE003, lr  }
0x1b: {  	s9 =	sadd.s32 $0xFFFFFEF7, lr;
	s5 =	simm.s32 $0xFFFFFFFF;
	p2 =	slt.u32 s8, $0xFFFFF086  }
0x1c: {  	p1 =	slt.u32 s9, $0xF7A;
	s5 =	simm.s32 @!p2 $0x0  }
0x1d: {  	s5 =	simm.s32 @p1 $0x1;
	p0 =	seq.s32 s7, s2  }
0x1e: {  	s7 =	smul.u32 @!p0 $0xF7A, s2;
	p2 =	seq.s32 @!p0 s5, $0x0  }
0x1f: {  	s9 =	smul.u32 $0xF7A, s1;
	s8 =	simm.s32 @!p0 $0x1BF5;
	p2 =	por !p2, p0  }
0x20: {  	[sflag:s8] =	ssyncset.s32 @!p0 $0xFFFFF086;
	s6 =	sadd.s32 @!p0 s3, s7;
	s7 =	simm.s32 @!p0 $0x108  }
0x21: {  	s3 =	sadd.s32 s3, s9;
	s6 =	sadd.s32 @!p0 $0x88, s6;
	s7 =	simm.s32 @p2 $0x1082  }
0x22: {  	[simem:s7], [sflag:s8] =	dma.local @!p0 [hbm:s6], $0xF7A  }
0x23: {  	s9 =	sor.u32 $0xD0000000, s2;
	s6 =	simm.s32 $0x108;
	_ =	swait.ge @!p0 [sflag:s8], $0x0  }
0x24: {  	s3 =	sadd.s32 $0x88, s3;
	s6 =	simm.s32 @!p1 $0x1082;
	[sflag:s4] =	ssyncset.s32 $0xFFFFF086  }
0x25: {  	[simem:s6], [sflag:s4] =	dma.local [hbm:s3], $0xF7A  }
0x26: {  	[smem:$0x3F9A] =	sst s1;
	(tag) =	ssettag s2;
	_ =	strace s9  }
0x27: {  	s1 =	sld [smem:$0x3FAA]  }
0x28: {  	s2 =	sld [smem:$0x3FAB]  }
0x29: {  	s4 =	sld [smem:$0x3FAD]  }
0x2a: {  	p0 =	seq.s32 s5, $0x0;
	s5 =	sld [smem:$0x3FAE]  }
0x2b: {  	s6 =	sld [smem:$0x3FAF]  }
0x2c: {  	s7 =	sld [smem:$0x3FB0]  }
0x2d: {  	s3 =	simm.s32 $0x108;
	s8 =	sld [smem:$0x3FB1]  }
0x2e: {  	s3 =	simm.s32 @!p0 $0x1082;
	s9 =	sld [smem:$0x3FB2]  }
0x2f: {  	lr =	sadd.s32 s0, s3;
	s0 =	sld [smem:$0x3FA9]  }
0x30: {  	s3 =	sld [smem:$0x3FAC]  }
0x31: {  	[smem:$0x3FB5] =	sst s10  }
0x32: {  	s10 =	sld [smem:$0x3FB3];
	_ =	sdelay $0x3  }
0x33: {  	p0 =	seq.s32 s10, $0x1;
	s10 =	sld [smem:$0x3FB5];
	_ =	sdelay $0x3  }
0x34: {  	[smem:$0x3FB5] =	sst s10  }
0x35: {  	s10 =	sld [smem:$0x3FB4];
	_ =	sdelay $0x3  }
0x36: {  	p1 =	seq.s32 s10, $0x1;
	s10 =	sld [smem:$0x3FB5];
	_ =	sdelay $0x3  }
0x37: {  	[smem:$0x3FB5] =	sst s10  }
0x38: {  	s10 =	sld [smem:$0x3FB6]  }
0x39: {  	_ = 	snop;
	(pc) =	sbr.ind lr, $3  }
0x3a: {  	_ = 	snop  }
0x3b: {  	_ = 	snop  }
0x3c: {  	p2 =	seq.s32 s10, $0x1;
	s10 =	sld [smem:$0x3FB5]  }
0x3d: {  	_ =	shalt  }
0x3e: {  	_ =	shalt  }
0x3f: {  	_ =	shalt  }
0x40: {  	_ =	shalt  }
0x41: {  	_ =	shalt  }
0x42: {  	_ =	shalt  }
0x43: {  	_ =	shalt  }
0x44: {  	_ =	shalt  }
0x45: {  	_ =	shalt  }
0x46: {  	_ =	shalt  }
0x47: {  	_ =	shalt  }
0x48: {  	_ =	shalt  }
0x49: {  	_ =	shalt  }
0x4a: {  	_ =	shalt  }
0x4b: {  	_ =	shalt  }
0x4c: {  	_ =	shalt  }
0x4d: {  	_ =	shalt  }
0x4e: {  	_ =	shalt  }
0x4f: {  	_ =	shalt  }
0x50: {  	_ =	shalt  }
0x51: {  	_ =	shalt  }
0x52: {  	_ =	shalt  }
0x53: {  	_ =	shalt  }
0x54: {  	_ =	shalt  }
0x55: {  	_ =	shalt  }
0x56: {  	_ =	shalt  }
0x57: {  	_ =	shalt  }
0x58: {  	_ =	shalt  }
0x59: {  	_ =	shalt  }
0x5a: {  	_ =	shalt  }
0x5b: {  	_ =	shalt  }
0x5c: {  	_ =	shalt  }
0x5d: {  	_ =	shalt  }
0x5e: {  	_ =	shalt  }
0x5f: {  	_ =	shalt  }
0x60: {  	_ =	shalt  }
0x61: {  	_ =	shalt  }
0x62: {  	_ =	shalt  }
0x63: {  	_ =	shalt  }
0x64: {  	_ =	shalt  }
0x65: {  	_ =	shalt  }
0x66: {  	_ =	shalt  }
0x67: {  	_ =	shalt  }
0x68: {  	_ =	shalt  }
0x69: {  	_ =	shalt  }
0x6a: {  	_ =	shalt  }
0x6b: {  	_ =	shalt  }
0x6c: {  	_ =	shalt  }
0x6d: {  	_ =	shalt  }
0x6e: {  	_ =	shalt  }
0x6f: {  	_ =	shalt  }
0x70: {  	_ =	shalt  }
0x71: {  	_ =	shalt  }
0x72: {  	_ =	shalt  }
0x73: {  	_ =	shalt  }
0x74: {  	_ =	shalt  }
0x75: {  	_ =	shalt  }
0x76: {  	_ =	shalt  }
0x77: {  	_ =	shalt  }
0x78: {  	_ =	shalt  }
0x79: {  	_ =	shalt  }
0x7a: {  	_ =	shalt  }
0x7b: {  	_ =	shalt  }
0x7c: {  	_ =	shalt  }
0x7d: {  	_ =	shalt  }
0x7e: {  	_ =	shalt  }
0x7f: {  	_ =	shalt  }
0x80: {  	_ =	shalt  }
0x81: {  	_ =	shalt  }
0x82: {  	_ =	shalt  }
0x83: {  	_ =	shalt  }
0x84: {  	_ =	shalt  }
0x85: {  	_ =	shalt  }
0x86: {  	_ =	shalt  }
0x87: {  	_ =	shalt  }
.Lfunc_end0:
.L_simem_size_0:
called_computation_lowered:
.L_overlay_start_0:
0x88: {  	s2 =	sld [smem:$0x3FD9]  }
0x89: {  	s3 =	sld [smem:$0x3FFE];
	_ =	sdelay $0x1  }
0x8a: {  	s1 =	srdreg.scid  }
0x8b: {  	s0 =	sand.u32 $0x1, s1  }
0x8c: {  	s17 =	sshll.u32 s0, $0xA;
	s2 =	sadd.s32 s3, s2  }
0x8d: {  	s2 =	sadd.s32 s2, s17  }
0x8e: {  	[smem:$0x3FC1] =	sst s2  }
0x8f: {  	_ = 	snop  }
0x90: {  	s2 =	sld [smem:$0x3FC9]  }
0x91: {  	s18 =	sld [smem:$0x3FC8];
	(tm) =	ssettm $0x1  }
0x92: {  	s4 =	sld [smem:$0x3FFB];
	_ =	sdelay $0x3  }
0x93: {  	_ =	strace s4  }
0x94: {  	s4 =	sld [smem:$0x3FFC];
	_ =	sdelay $0x3  }
0x95: {  	_ =	strace s4  }
0x96: {  	s4 =	sld [smem:$0x3FFD];
	_ =	sdelay $0x3  }
0x97: {  	_ =	strace s4  }
0x98: {  	_ =	strace $0x8FFFFFFF  }
0x99: {  	s19 =	sld [smem:$0x3FDB];
	_ =	sdelay $0x1  }
0x9a: {  	s5 =	simm.s32 $_scs_section_size  }
0x9b: {  	s6 =	simm.s32 $_size__tile_overlayer_lowered;
	s7 =	simm.s32 $_tile_overlayer_lowered  }
0x9c: {  	s22 =	simm.s32 $0x1BFF;
	s21 =	sshll.u32 s7, $0x1;
	s4 =	sadd.s32 s5, s19  }
0x9d: {  	s8 =	simm.s32 $0x0;
	s20 =	sshll.u32 s6, $0x1;
	s6 =	sadd.s32 s21, s4  }
0x9e: {  	[timem:s8], [sflag:s22] =	dma.local [hbm:s6], s20  }
0x9f: {  	_ =	swait.ge [sflag:s22], s20  }
0xa0: {  	s5 =	ssub.s32 $0x0, s20;
	[sflag:s22] =	ssyncset.done $0x0  }
0xa1: {  	[sflag:s22] =	ssyncadd.s32 s5;
	_ =	sdelay $0x1  }
0xa2: {  	s23 =	simm.s32 $0x1B8B  }
0xa3: {  	_ =	swait.ge [sflag:s23], $0x1  }
0xa4: {  	[sflag:s23] =	ssyncset.done $0x0  }
0xa5: {  	s25 =	simm.s32 $0x1B8E;
	s24 =	sld [smem:$0x3FFE];
	[sflag:s23] =	ssyncadd.s32 $0xFFFFFFFF  }
0xa6: {  	s26 =	simm.s32 $execute0_lowered;
	[smem:$0x3FD2] =	sst s25  }
0xa7: {  	s6 =	sshll.u32 s26, $0x1;
	_ =	strace $0x80000046;
	[dreg:$0x1] =	wrdreg $0xFFFFFFFF  }
0xa8: {  	s28 =	simm.s32 $_size_execute0_lowered;
	s4 =	sadd.s32 s4, s6;
	[dreg:$0x0] =	wrdreg $0x0  }
0xa9: {  	s6 =	sshll.u32 s28, $0x1;
	[dreg:$0x2] =	wrdreg s4  }
0xaa: {  	[dreg:$0x3] =	wrdreg s6  }
0xab: {  	[dreg:$0x4] =	wrdreg $0xC0  }
0xac: {  	_ =	task [dreg:s8], $0x5FFFF  }
0xad: {  	[dreg:$0x1] =	wrdreg $0xFFFFFFFF  }
0xae: {  	[dreg:$0x0] =	wrdreg $0x60  }
0xaf: {  	[dreg:$0x2] =	wrdreg s2  }
0xb0: {  	[dreg:$0x3] =	wrdreg s18  }
0xb1: {  	[dreg:$0x4] =	wrdreg s24  }
0xb2: {  	[dreg:$0x5] =	wrdreg $0x9  }
0xb3: {  	_ =	task.clear_ibuf [dreg:s8], $0x6FFFF;
	_ =	strace $0x90000046  }
0xb4: {  	s29 =	simm.s32 $0x9;
	_ =	strace $0x80000048  }
0xb5: {  	_ =	swait.ge [sflag:s29], $0x1  }
0xb6: {  	[sflag:s29] =	ssyncadd.s32 $0xFFFFFFFF  }
0xb7: {  	_ =	strace $0x90000048  }
0xb8: {  	_ =	sfence  }
0xb9: {  	s30 =	sld [smem:$0x0];
	_ =	sdelay $0x2  }
0xba: {  	s31 =	sshll.u32 s1, $0xD;
	s1 =	sshrl.u32 s1, $0x2  }
0xbb: {  	s3 =	sand.u32 $0x4000, s31;
	s1 =	sadd.s32 s1, s30  }
0xbc: {  	s0 =	sor.u32 s3, s0;
	s1 =	sshll.u32 s1, $0x11  }
0xbd: {  	s0 =	sor.u32 s1, s0  }
0xbe: {  	s0 =	sadd.s32 $0x8F2B, s0  }
0xbf: {  	[sflag:s0] =	ssyncadd.remote.s32 $0x1  }
0xc0: {  	_ =	sfence.sel $0xFFFF  }
0xc1: {  	[dreg:$0x0] =	wrdreg $0xFFFFFFFF;
	(pc) =	sbr.abs _section_cstart, $3  }
0xc2: {  	[dreg:$0x1] =	wrdreg $0xFFFFFFFF  }
0xc3: {  	_ =	task.clear_ibuf [dreg:s8], $0x2FFFF;
	_ =	strace $0x9FFFFFFF  }
0xc4: {  	(tm) =	ssettm $0x7FFFFFFF  }
0xc5: {  	_ =	shalt  }
tec
execute0_lowered:
.L_overlay_start_1:
0x0: {  	(tag) =	ssettag $0x1  }
0x1: {  	s0 =	rddreg [dreg:$0x0]  }
0x2: {  	s1 =	rddreg [dreg:$0x1]  }
0x3: {  	s5 =	rddreg [dreg:$0x2];
	s2 =	simm.s32 $0x0  }
0x4: {  	s3 =	srdreg.scid;
	s8 =	stileid.u32;
	s11 =	simm.s32 $0x2  }
0x5: {  	s12 =	simm.s32 $0x1;
	s13 =	simm.s32 $0x0;
	[smem:$0x7FF] =	sst s2  }
0x6: {  	s6 =	sand.u32 $0x1, s3;
	s7 =	sshll.u32 s8, $0x1;
	s3 =	sadd.s32 $0xA00, s5  }
0x7: {  	s4 =	sadd.s32 $0xF42E00, s5;
	s8 =	sshll.u32 s8, $0x7;
	s7 =	sor.u32 s6, s7  }
0x8: {  	_ =	strace $0x80000047;
	s9 =	sshll.u32 s7, $0x4;
	s7 =	sshll.u32 s7, $0xD  }
0x9: {  	s6 =	ssub.s32 $0x2, s6;
	s8 =	sor.u32 s8, s9;
	s7 =	sadd.s32 s7, s5  }
0xa: {  	s10 =	sshrl.u32 s6, $0x1;
	s29 =	sand.u32 $0x670, s8;
	s31 =	sadd.s32 $0x1E85200, s7  }
0xb: {  	s28 =	ssub.s32 s6, s10;
	s0 =	sadd.s32 s0, s29;
	[dreg:$0x6] =	wrdreg s31  }
0xc: {  	s9 =	simm.s32 $0x80;
	s30 =	sadd.s32 s1, s29;
	[dreg:$0x4] =	wrdreg s0  }
0xd: {  	s10 =	simm.s32 $0x400;
	s8 =	smax.u32 s28, $0x1;
	[dreg:$0x5] =	wrdreg s30  }
.LBB2_1:
0xe: {  	s0 =	rddreg [dreg:$0x4]  }
0xf: {  	[tilespmem:s2], [sflag:$0x2] =	stream.strided.gather [hbm4b:s0+s9], $0x200, s10, s9, $0x38;
	[tilespmem:$0x10400] =	vst v63  }
0x10: {  	_ =	swait.ge [sflag:s11], $0x200  }
0x11: {  	[sflag:s11] =	ssyncset.done $0x0  }
0x12: {  	s14 =	simm.s32 $0x200;
	s23 =	rddreg [dreg:$0x5];
	[sflag:s11] =	ssyncadd.s32 $0xFFFFFE00  }
0x13: {  	[tilespmem:s14], [sflag:$0x2] =	stream.strided.gather [hbm4b:s23+s9], $0x200, s10, s9, $0x38;
	[tilespmem:$0x10400] =	vst v63  }
0x14: {  	_ =	swait.ge [sflag:s11], $0x200  }
0x15: {  	[sflag:s11] =	ssyncset.done $0x0  }
0x16: {  	[sflag:s11] =	ssyncadd.s32 $0xFFFFFE00  }
0x17: {  	v0 =	vld [tilespmem:s2+$0x0];
	_ =	sdelay $0x3  }
0x18: {  	v63 =	vld [tilespmem:s14+$0x0]  }
0x19: {  	v1 =	vshll.u32 v0, $0x4  }
0x1a: {  	(v2sf) =	vpush v1, $0x0  }
0x1b: {  	(v2sf) =	vpush v1, $0x1  }
0x1c: {  	(v2sf) =	vpush v1, $0x2  }
0x1d: {  	v0 =	vshll.u32 v63, $0x4  }
0x1e: {  	(v2sf) =	vpush v0, $0x0;
	_ =	sdelay $0x6  }
0x1f: {  	(v2sf) =	vpush v0, $0x1;
	_ =	sdelay $0x3  }
0x20: {  	s24 =	spop (v2sf)  }
0x21: {  	s0 =	sand.u32 $0x1FFFFFF0, s24;
	s1 =	spop (v2sf)  }
0x22: {  	s15 =	simm.s32 $0x400;
	s0 =	sadd.s32 s3, s0;
	s16 =	spop (v2sf)  }
0x23: {  	[tilespmem:s15], [sflag:$0x1] =	stream.strided.gather [hbm4b:s0+s9], $0x0, s10, s9, $0x38;
	[tilespmem:$0x10400] =	vst v63  }
0x24: {  	(v2sf) =	vpush v0, $0x2;
	s25 =	spop (v2sf)  }
0x25: {  	[tilespmem:s15], [sflag:$0x1] =	stream.linear.gather [hbm4b:s0+s2], $0x21, $0x38;
	[tilespmem:$0x10400] =	vst v63  }
0x26: {  	s0 =	sand.u32 $0x1FFFFFF0, s25  }
0x27: {  	s26 =	simm.s32 $0x428;
	s0 =	sadd.s32 s4, s0  }
0x28: {  	(v2sf) =	vpush v1, $0x3;
	[tilespmem:s26], [sflag:$0x1] =	stream.strided.gather [hbm4b:s0+s9], $0x0, s10, s9, $0x38;
	[tilespmem:$0x10400] =	vst v63  }
0x29: {  	s1 =	sand.u32 $0x1FFFFFF0, s1  }
0x2a: {  	[tilespmem:s26], [sflag:$0x1] =	stream.linear.gather [hbm4b:s0+s2], $0x21, $0x38;
	[tilespmem:$0x10400] =	vst v63  }
0x2b: {  	s29 =	simm.s32 $0x480;
	s1 =	sadd.s32 s3, s1;
	s28 =	spop (v2sf)  }
0x2c: {  	(v2sf) =	vpush v0, $0x3;
	[tilespmem:s29], [sflag:$0x1] =	stream.strided.gather [hbm4b:s1+s9], $0x0, s10, s9, $0x38;
	[tilespmem:$0x10400] =	vst v63  }
0x2d: {  	s0 =	sand.u32 $0x1FFFFFF0, s28  }
0x2e: {  	[tilespmem:s29], [sflag:$0x1] =	stream.linear.gather [hbm4b:s1+s2], $0x21, $0x38;
	[tilespmem:$0x10400] =	vst v63  }
0x2f: {  	s30 =	simm.s32 $0x4A8;
	s0 =	sadd.s32 s4, s0  }
0x30: {  	(v2sf) =	vpush v1, $0x4;
	[tilespmem:s30], [sflag:$0x1] =	stream.strided.gather [hbm4b:s0+s9], $0x0, s10, s9, $0x38;
	[tilespmem:$0x10400] =	vst v63  }
0x31: {  	s31 =	sand.u32 $0x1FFFFFF0, s16  }
0x32: {  	[tilespmem:s30], [sflag:$0x1] =	stream.linear.gather [hbm4b:s0+s2], $0x21, $0x38;
	[tilespmem:$0x10400] =	vst v63  }
0x33: {  	s5 =	simm.s32 $0x500;
	s15 =	sadd.s32 s3, s31;
	s1 =	spop (v2sf)  }
0x34: {  	(v2sf) =	vpush v0, $0x4;
	[tilespmem:s5], [sflag:$0x1] =	stream.strided.gather [hbm4b:s15+s9], $0x0, s10, s9, $0x38;
	[tilespmem:$0x10400] =	vst v63  }
0x35: {  	s0 =	sand.u32 $0x1FFFFFF0, s1  }
0x36: {  	[tilespmem:s5], [sflag:$0x1] =	stream.linear.gather [hbm4b:s15+s2], $0x21, $0x38;
	[tilespmem:$0x10400] =	vst v63  }
0x37: {  	s7 =	simm.s32 $0x528;
	s6 =	spop (v2sf);
	s0 =	sadd.s32 s4, s0  }
0x38: {  	(v2sf) =	vpush v1, $0x5;
	[tilespmem:s7], [sflag:$0x1] =	stream.strided.gather [hbm4b:s0+s9], $0x0, s10, s9, $0x38;
	[tilespmem:$0x10400] =	vst v63  }
0x39: {  	s1 =	sand.u32 $0x1FFFFFF0, s6  }
0x3a: {  	[tilespmem:s7], [sflag:$0x1] =	stream.linear.gather [hbm4b:s0+s2], $0x21, $0x38;
	[tilespmem:$0x10400] =	vst v63  }
0x3b: {  	s17 =	simm.s32 $0x580;
	s16 =	spop (v2sf);
	s1 =	sadd.s32 s3, s1  }
0x3c: {  	(v2sf) =	vpush v0, $0x5;
	[tilespmem:s17], [sflag:$0x1] =	stream.strided.gather [hbm4b:s1+s9], $0x0, s10, s9, $0x38;
	[tilespmem:$0x10400] =	vst v63  }
0x3d: {  	s0 =	sand.u32 $0x1FFFFFF0, s16  }
0x3e: {  	[tilespmem:s17], [sflag:$0x1] =	stream.linear.gather [hbm4b:s1+s2], $0x21, $0x38;
	[tilespmem:$0x10400] =	vst v63  }
0x3f: {  	s19 =	simm.s32 $0x5A8;
	s18 =	spop (v2sf);
	s0 =	sadd.s32 s4, s0  }
0x40: {  	(v2sf) =	vpush v1, $0x6;
	[tilespmem:s19], [sflag:$0x1] =	stream.strided.gather [hbm4b:s0+s9], $0x0, s10, s9, $0x38;
	[tilespmem:$0x10400] =	vst v63  }
0x41: {  	s1 =	sand.u32 $0x1FFFFFF0, s18  }
0x42: {  	[tilespmem:s19], [sflag:$0x1] =	stream.linear.gather [hbm4b:s0+s2], $0x21, $0x38;
	[tilespmem:$0x10400] =	vst v63  }
0x43: {  	s21 =	simm.s32 $0x600;
	s20 =	spop (v2sf);
	s1 =	sadd.s32 s3, s1  }
0x44: {  	(v2sf) =	vpush v0, $0x6;
	[tilespmem:s21], [sflag:$0x1] =	stream.strided.gather [hbm4b:s1+s9], $0x0, s10, s9, $0x38;
	[tilespmem:$0x10400] =	vst v63  }
0x45: {  	s0 =	sand.u32 $0x1FFFFFF0, s20  }
0x46: {  	[tilespmem:s21], [sflag:$0x1] =	stream.linear.gather [hbm4b:s1+s2], $0x21, $0x38;
	[tilespmem:$0x10400] =	vst v63  }
0x47: {  	s23 =	simm.s32 $0x628;
	s22 =	spop (v2sf);
	s0 =	sadd.s32 s4, s0  }
0x48: {  	(v2sf) =	vpush v1, $0x7;
	[tilespmem:s23], [sflag:$0x1] =	stream.strided.gather [hbm4b:s0+s9], $0x0, s10, s9, $0x38;
	[tilespmem:$0x10400] =	vst v63  }
0x49: {  	s1 =	sand.u32 $0x1FFFFFF0, s22  }
0x4a: {  	[tilespmem:s23], [sflag:$0x1] =	stream.linear.gather [hbm4b:s0+s2], $0x21, $0x38;
	[tilespmem:$0x10400] =	vst v63  }
0x4b: {  	s25 =	simm.s32 $0x680;
	s24 =	spop (v2sf);
	s1 =	sadd.s32 s3, s1  }
0x4c: {  	(v2sf) =	vpush v0, $0x7;
	[tilespmem:s25], [sflag:$0x1] =	stream.strided.gather [hbm4b:s1+s9], $0x0, s10, s9, $0x38;
	[tilespmem:$0x10400] =	vst v63  }
0x4d: {  	s0 =	sand.u32 $0x1FFFFFF0, s24  }
0x4e: {  	[tilespmem:s25], [sflag:$0x1] =	stream.linear.gather [hbm4b:s1+s2], $0x21, $0x38;
	[tilespmem:$0x10400] =	vst v63  }
0x4f: {  	s28 =	simm.s32 $0x6A8;
	s26 =	spop (v2sf);
	s0 =	sadd.s32 s4, s0  }
0x50: {  	(v2sf) =	vpush v1, $0x8;
	[tilespmem:s28], [sflag:$0x1] =	stream.strided.gather [hbm4b:s0+s9], $0x0, s10, s9, $0x38;
	[tilespmem:$0x10400] =	vst v63  }
0x51: {  	s1 =	sand.u32 $0x1FFFFFF0, s26  }
0x52: {  	[tilespmem:s28], [sflag:$0x1] =	stream.linear.gather [hbm4b:s0+s2], $0x21, $0x38;
	[tilespmem:$0x10400] =	vst v63  }
0x53: {  	s30 =	simm.s32 $0x700;
	s29 =	spop (v2sf);
	s1 =	sadd.s32 s3, s1  }
0x54: {  	(v2sf) =	vpush v0, $0x8;
	[tilespmem:s30], [sflag:$0x1] =	stream.strided.gather [hbm4b:s1+s9], $0x0, s10, s9, $0x38;
	[tilespmem:$0x10400] =	vst v63  }
0x55: {  	s0 =	sand.u32 $0x1FFFFFF0, s29  }
0x56: {  	[tilespmem:s30], [sflag:$0x1] =	stream.linear.gather [hbm4b:s1+s2], $0x21, $0x38;
	[tilespmem:$0x10400] =	vst v63  }
0x57: {  	s5 =	simm.s32 $0x728;
	s31 =	spop (v2sf);
	s0 =	sadd.s32 s4, s0  }
0x58: {  	(v2sf) =	vpush v1, $0x9;
	[tilespmem:s5], [sflag:$0x1] =	stream.strided.gather [hbm4b:s0+s9], $0x0, s10, s9, $0x38;
	[tilespmem:$0x10400] =	vst v63  }
0x59: {  	s1 =	sand.u32 $0x1FFFFFF0, s31  }
0x5a: {  	[tilespmem:s5], [sflag:$0x1] =	stream.linear.gather [hbm4b:s0+s2], $0x21, $0x38;
	[tilespmem:$0x10400] =	vst v63  }
0x5b: {  	s7 =	simm.s32 $0x780;
	s6 =	spop (v2sf);
	s1 =	sadd.s32 s3, s1  }
0x5c: {  	(v2sf) =	vpush v0, $0x9;
	[tilespmem:s7], [sflag:$0x1] =	stream.strided.gather [hbm4b:s1+s9], $0x0, s10, s9, $0x38;
	[tilespmem:$0x10400] =	vst v63  }
0x5d: {  	s0 =	sand.u32 $0x1FFFFFF0, s6  }
0x5e: {  	[tilespmem:s7], [sflag:$0x1] =	stream.linear.gather [hbm4b:s1+s2], $0x21, $0x38;
	[tilespmem:$0x10400] =	vst v63  }
0x5f: {  	s17 =	simm.s32 $0x7A8;
	s16 =	spop (v2sf);
	s0 =	sadd.s32 s4, s0  }
0x60: {  	(v2sf) =	vpush v1, $0xA;
	[tilespmem:s17], [sflag:$0x1] =	stream.strided.gather [hbm4b:s0+s9], $0x0, s10, s9, $0x38;
	[tilespmem:$0x10400] =	vst v63  }
0x61: {  	s1 =	sand.u32 $0x1FFFFFF0, s16  }
0x62: {  	[tilespmem:s17], [sflag:$0x1] =	stream.linear.gather [hbm4b:s0+s2], $0x21, $0x38;
	[tilespmem:$0x10400] =	vst v63  }
0x63: {  	s19 =	simm.s32 $0x800;
	s18 =	spop (v2sf);
	s1 =	sadd.s32 s3, s1  }
0x64: {  	(v2sf) =	vpush v0, $0xA;
	[tilespmem:s19], [sflag:$0x1] =	stream.strided.gather [hbm4b:s1+s9], $0x0, s10, s9, $0x38;
	[tilespmem:$0x10400] =	vst v63  }
0x65: {  	s0 =	sand.u32 $0x1FFFFFF0, s18  }
0x66: {  	[tilespmem:s19], [sflag:$0x1] =	stream.linear.gather [hbm4b:s1+s2], $0x21, $0x38;
	[tilespmem:$0x10400] =	vst v63  }
0x67: {  	s21 =	simm.s32 $0x828;
	s20 =	spop (v2sf);
	s0 =	sadd.s32 s4, s0  }
0x68: {  	(v2sf) =	vpush v1, $0xB;
	[tilespmem:s21], [sflag:$0x1] =	stream.strided.gather [hbm4b:s0+s9], $0x0, s10, s9, $0x38;
	[tilespmem:$0x10400] =	vst v63  }
0x69: {  	s1 =	sand.u32 $0x1FFFFFF0, s20  }
0x6a: {  	[tilespmem:s21], [sflag:$0x1] =	stream.linear.gather [hbm4b:s0+s2], $0x21, $0x38;
	[tilespmem:$0x10400] =	vst v63  }
0x6b: {  	s23 =	simm.s32 $0x880;
	s22 =	spop (v2sf);
	s1 =	sadd.s32 s3, s1  }
0x6c: {  	(v2sf) =	vpush v0, $0xB;
	[tilespmem:s23], [sflag:$0x1] =	stream.strided.gather [hbm4b:s1+s9], $0x0, s10, s9, $0x38;
	[tilespmem:$0x10400] =	vst v63  }
0x6d: {  	s0 =	sand.u32 $0x1FFFFFF0, s22  }
0x6e: {  	[tilespmem:s23], [sflag:$0x1] =	stream.linear.gather [hbm4b:s1+s2], $0x21, $0x38;
	[tilespmem:$0x10400] =	vst v63  }
0x6f: {  	s25 =	simm.s32 $0x8A8;
	s24 =	spop (v2sf);
	s0 =	sadd.s32 s4, s0  }
0x70: {  	(v2sf) =	vpush v1, $0xC;
	[tilespmem:s25], [sflag:$0x1] =	stream.strided.gather [hbm4b:s0+s9], $0x0, s10, s9, $0x38;
	[tilespmem:$0x10400] =	vst v63  }
0x71: {  	s1 =	sand.u32 $0x1FFFFFF0, s24  }
0x72: {  	[tilespmem:s25], [sflag:$0x1] =	stream.linear.gather [hbm4b:s0+s2], $0x21, $0x38;
	[tilespmem:$0x10400] =	vst v63  }
0x73: {  	s28 =	simm.s32 $0x900;
	s26 =	spop (v2sf);
	s1 =	sadd.s32 s3, s1  }
0x74: {  	(v2sf) =	vpush v0, $0xC;
	[tilespmem:s28], [sflag:$0x1] =	stream.strided.gather [hbm4b:s1+s9], $0x0, s10, s9, $0x38;
	[tilespmem:$0x10400] =	vst v63  }
0x75: {  	s0 =	sand.u32 $0x1FFFFFF0, s26  }
0x76: {  	[tilespmem:s28], [sflag:$0x1] =	stream.linear.gather [hbm4b:s1+s2], $0x21, $0x38;
	[tilespmem:$0x10400] =	vst v63  }
0x77: {  	s30 =	simm.s32 $0x928;
	s29 =	spop (v2sf);
	s0 =	sadd.s32 s4, s0  }
0x78: {  	(v2sf) =	vpush v1, $0xD;
	[tilespmem:s30], [sflag:$0x1] =	stream.strided.gather [hbm4b:s0+s9], $0x0, s10, s9, $0x38;
	[tilespmem:$0x10400] =	vst v63  }
0x79: {  	s1 =	sand.u32 $0x1FFFFFF0, s29  }
0x7a: {  	[tilespmem:s30], [sflag:$0x1] =	stream.linear.gather [hbm4b:s0+s2], $0x21, $0x38;
	[tilespmem:$0x10400] =	vst v63  }
0x7b: {  	s5 =	simm.s32 $0x980;
	s31 =	spop (v2sf);
	s1 =	sadd.s32 s3, s1  }
0x7c: {  	(v2sf) =	vpush v0, $0xD;
	[tilespmem:s5], [sflag:$0x1] =	stream.strided.gather [hbm4b:s1+s9], $0x0, s10, s9, $0x38;
	[tilespmem:$0x10400] =	vst v63  }
0x7d: {  	s0 =	sand.u32 $0x1FFFFFF0, s31  }
0x7e: {  	[tilespmem:s5], [sflag:$0x1] =	stream.linear.gather [hbm4b:s1+s2], $0x21, $0x38;
	[tilespmem:$0x10400] =	vst v63  }
0x7f: {  	s7 =	simm.s32 $0x9A8;
	s6 =	spop (v2sf);
	s0 =	sadd.s32 s4, s0  }
0x80: {  	(v2sf) =	vpush v1, $0xE;
	[tilespmem:s7], [sflag:$0x1] =	stream.strided.gather [hbm4b:s0+s9], $0x0, s10, s9, $0x38;
	[tilespmem:$0x10400] =	vst v63  }
0x81: {  	s1 =	sand.u32 $0x1FFFFFF0, s6  }
0x82: {  	[tilespmem:s7], [sflag:$0x1] =	stream.linear.gather [hbm4b:s0+s2], $0x21, $0x38;
	[tilespmem:$0x10400] =	vst v63  }
0x83: {  	s17 =	simm.s32 $0xA00;
	s16 =	spop (v2sf);
	s1 =	sadd.s32 s3, s1  }
0x84: {  	(v2sf) =	vpush v0, $0xE;
	[tilespmem:s17], [sflag:$0x1] =	stream.strided.gather [hbm4b:s1+s9], $0x0, s10, s9, $0x38;
	[tilespmem:$0x10400] =	vst v63  }
0x85: {  	s0 =	sand.u32 $0x1FFFFFF0, s16  }
0x86: {  	[tilespmem:s17], [sflag:$0x1] =	stream.linear.gather [hbm4b:s1+s2], $0x21, $0x38;
	[tilespmem:$0x10400] =	vst v63  }
0x87: {  	s19 =	simm.s32 $0xA28;
	s18 =	spop (v2sf);
	s0 =	sadd.s32 s4, s0  }
0x88: {  	(v2sf) =	vpush v1, $0xF;
	[tilespmem:s19], [sflag:$0x1] =	stream.strided.gather [hbm4b:s0+s9], $0x0, s10, s9, $0x38;
	[tilespmem:$0x10400] =	vst v63  }
0x89: {  	s1 =	sand.u32 $0x1FFFFFF0, s18  }
0x8a: {  	[tilespmem:s19], [sflag:$0x1] =	stream.linear.gather [hbm4b:s0+s2], $0x21, $0x38;
	[tilespmem:$0x10400] =	vst v63  }
0x8b: {  	s21 =	simm.s32 $0xA80;
	s20 =	spop (v2sf);
	s1 =	sadd.s32 s3, s1  }
0x8c: {  	(v2sf) =	vpush v0, $0xF;
	[tilespmem:s21], [sflag:$0x1] =	stream.strided.gather [hbm4b:s1+s9], $0x0, s10, s9, $0x38;
	[tilespmem:$0x10400] =	vst v63  }
0x8d: {  	s0 =	sand.u32 $0x1FFFFFF0, s20  }
0x8e: {  	[tilespmem:s21], [sflag:$0x1] =	stream.linear.gather [hbm4b:s1+s2], $0x21, $0x38;
	[tilespmem:$0x10400] =	vst v63  }
0x8f: {  	s23 =	simm.s32 $0xAA8;
	s22 =	spop (v2sf);
	s0 =	sadd.s32 s4, s0  }
0x90: {  	[tilespmem:s23], [sflag:$0x1] =	stream.strided.gather [hbm4b:s0+s9], $0x0, s10, s9, $0x38;
	[tilespmem:$0x10400] =	vst v63  }
0x91: {  	s1 =	sand.u32 $0x1FFFFFF0, s22  }
0x92: {  	[tilespmem:s23], [sflag:$0x1] =	stream.linear.gather [hbm4b:s0+s2], $0x21, $0x38;
	[tilespmem:$0x10400] =	vst v63  }
0x93: {  	s25 =	simm.s32 $0xB00;
	s24 =	spop (v2sf);
	s1 =	sadd.s32 s3, s1  }
0x94: {  	[tilespmem:s25], [sflag:$0x1] =	stream.strided.gather [hbm4b:s1+s9], $0x0, s10, s9, $0x38;
	[tilespmem:$0x10400] =	vst v63  }
0x95: {  	s0 =	sand.u32 $0x1FFFFFF0, s24  }
0x96: {  	[tilespmem:s25], [sflag:$0x1] =	stream.linear.gather [hbm4b:s1+s2], $0x21, $0x38;
	[tilespmem:$0x10400] =	vst v63  }
0x97: {  	s28 =	simm.s32 $0xB28;
	s26 =	spop (v2sf);
	s0 =	sadd.s32 s4, s0  }
0x98: {  	[tilespmem:s28], [sflag:$0x1] =	stream.strided.gather [hbm4b:s0+s9], $0x0, s10, s9, $0x38;
	[tilespmem:$0x10400] =	vst v63  }
0x99: {  	s1 =	sand.u32 $0x1FFFFFF0, s26  }
0x9a: {  	[tilespmem:s28], [sflag:$0x1] =	stream.linear.gather [hbm4b:s0+s2], $0x21, $0x38;
	[tilespmem:$0x10400] =	vst v63  }
0x9b: {  	s30 =	simm.s32 $0xB80;
	s29 =	spop (v2sf);
	s1 =	sadd.s32 s3, s1  }
0x9c: {  	[tilespmem:s30], [sflag:$0x1] =	stream.strided.gather [hbm4b:s1+s9], $0x0, s10, s9, $0x38;
	[tilespmem:$0x10400] =	vst v63  }
0x9d: {  	s15 =	simm.s32 $0x2000;
	s31 =	sand.u32 $0x1FFFFFF0, s29  }
0x9e: {  	[tilespmem:s30], [sflag:$0x1] =	stream.linear.gather [hbm4b:s1+s2], $0x21, $0x38;
	[tilespmem:$0x10400] =	vst v63  }
0x9f: {  	s16 =	simm.s32 $0x0;
	s0 =	simm.s32 $0xBA8;
	s1 =	sadd.s32 s4, s31  }
0xa0: {  	[tilespmem:s0], [sflag:$0x1] =	stream.strided.gather [hbm4b:s1+s9], $0x0, s10, s9, $0x38;
	[tilespmem:$0x10400] =	vst v63  }
.LBB2_2:
0xa1: {  	p0 =	sne.s32 s15, $0x3E000;
	s16 =	sadd.s32 $0x10, s16;
	s14 =	sadd.s32 $0x10, s14  }
0xa2: {  	[tilespmem:s0], [sflag:$0x1] =	stream.linear.gather [hbm4b:s1+s2], $0x21, $0x38;
	[tilespmem:$0x10400] =	vst v63  }
0xa3: {  	s0 =	smov.u32 s15;
	s15 =	sadd.s32 $0x2000, s15;
	v0 =	vld [tilespmem:s16+$0x0];
	_ =	sdelay $0x3  }
0xa4: {  	v1 =	vld [tilespmem:s14+$0x0]  }
0xa5: {  	v0 =	vshll.u32 v0, $0x4  }
0xa6: {  	(v2sf) =	vpush v0, $0x0  }
0xa7: {  	(v2sf) =	vpush v0, $0x1  }
0xa8: {  	(v2sf) =	vpush v0, $0x2  }
0xa9: {  	v1 =	vshll.u32 v1, $0x4  }
0xaa: {  	(v2sf) =	vpush v1, $0x0;
	_ =	sdelay $0x1  }
0xab: {  	(v2sf) =	vpush v1, $0x1  }
0xac: {  	(v2sf) =	vpush v1, $0x2;
	_ =	sdelay $0x3  }
0xad: {  	(v2sf) =	vpush v0, $0x3;
	_ =	sdelay $0x3  }
0xae: {  	s1 =	spop (v2sf);
	(v2sf) =	vpush v1, $0x3  }
0xaf: {  	s17 =	sshra.s32 s0, $0x2;
	s0 =	sand.u32 $0x1FFFFFF0, s1;
	s1 =	spop (v2sf)  }
0xb0: {  	s18 =	sadd.s32 $0x400, s17;
	s0 =	sadd.s32 s3, s0;
	s19 =	spop (v2sf)  }
0xb1: {  	[tilespmem:s18], [sflag:$0x1] =	stream.strided.gather [hbm4b:s0+s9], $0x0, s10, s9, $0x38;
	[tilespmem:$0x10400] =	vst v63  }
0xb2: {  	s1 =	sand.u32 $0x1FFFFFF0, s1;
	s19 =	sand.u32 $0x1FFFFFF0, s19;
	s20 =	spop (v2sf);
	(v2sf) =	vpush v0, $0x4  }
0xb3: {  	[tilespmem:s18], [sflag:$0x1] =	stream.linear.gather [hbm4b:s0+s2], $0x21, $0x38;
	[tilespmem:$0x10400] =	vst v63  }
0xb4: {  	s0 =	sadd.s32 $0x428, s17;
	s18 =	sand.u32 $0x1FFFFFF0, s20;
	s20 =	spop (v2sf);
	(v2sf) =	vpush v1, $0x4  }
0xb5: {  	s18 =	sadd.s32 s4, s18;
	s20 =	sand.u32 $0x1FFFFFF0, s20;
	s21 =	spop (v2sf)  }
0xb6: {  	[tilespmem:s0], [sflag:$0x1] =	stream.strided.gather [hbm4b:s18+s9], $0x0, s10, s9, $0x38;
	(v2sf) =	vpush v0, $0x5;
	[tilespmem:$0x10400] =	vst v63  }
0xb7: {  	s22 =	sadd.s32 $0x480, s17;
	s1 =	sadd.s32 s3, s1;
	s21 =	sand.u32 $0x1FFFFFF0, s21  }
0xb8: {  	[tilespmem:s0], [sflag:$0x1] =	stream.linear.gather [hbm4b:s18+s2], $0x21, $0x38;
	(v2sf) =	vpush v1, $0x5;
	[tilespmem:$0x10400] =	vst v63  }
0xb9: {  	s0 =	spop (v2sf)  }
0xba: {  	[tilespmem:s22], [sflag:$0x1] =	stream.strided.gather [hbm4b:s1+s9], $0x0, s10, s9, $0x38;
	(v2sf) =	vpush v0, $0x6;
	[tilespmem:$0x10400] =	vst v63  }
0xbb: {  	s20 =	sadd.s32 s4, s20;
	s18 =	sadd.s32 $0x4A8, s17;
	s0 =	sand.u32 $0x1FFFFFF0, s0  }
0xbc: {  	[tilespmem:s22], [sflag:$0x1] =	stream.linear.gather [hbm4b:s1+s2], $0x21, $0x38;
	(v2sf) =	vpush v1, $0x6;
	[tilespmem:$0x10400] =	vst v63  }
0xbd: {  	s1 =	spop (v2sf)  }
0xbe: {  	[tilespmem:s18], [sflag:$0x1] =	stream.strided.gather [hbm4b:s20+s9], $0x0, s10, s9, $0x38;
	(v2sf) =	vpush v0, $0x7;
	[tilespmem:$0x10400] =	vst v63  }
0xbf: {  	s19 =	sadd.s32 s3, s19;
	s22 =	sadd.s32 $0x500, s17;
	s1 =	sand.u32 $0x1FFFFFF0, s1  }
0xc0: {  	[tilespmem:s18], [sflag:$0x1] =	stream.linear.gather [hbm4b:s20+s2], $0x21, $0x38;
	(v2sf) =	vpush v1, $0x7;
	[tilespmem:$0x10400] =	vst v63  }
0xc1: {  	s18 =	spop (v2sf)  }
0xc2: {  	[tilespmem:s22], [sflag:$0x1] =	stream.strided.gather [hbm4b:s19+s9], $0x0, s10, s9, $0x38;
	(v2sf) =	vpush v0, $0x8;
	[tilespmem:$0x10400] =	vst v63  }
0xc3: {  	s21 =	sadd.s32 s4, s21;
	s20 =	sadd.s32 $0x528, s17;
	s23 =	spop (v2sf)  }
0xc4: {  	[tilespmem:s22], [sflag:$0x1] =	stream.linear.gather [hbm4b:s19+s2], $0x21, $0x38;
	(v2sf) =	vpush v1, $0x8;
	[tilespmem:$0x10400] =	vst v63  }
0xc5: {  	s18 =	sand.u32 $0x1FFFFFF0, s18;
	s19 =	sand.u32 $0x1FFFFFF0, s23;
	s22 =	spop (v2sf)  }
0xc6: {  	[tilespmem:s20], [sflag:$0x1] =	stream.strided.gather [hbm4b:s21+s9], $0x0, s10, s9, $0x38;
	(v2sf) =	vpush v0, $0x9;
	[tilespmem:$0x10400] =	vst v63  }
0xc7: {  	s24 =	sadd.s32 s3, s0;
	s23 =	sadd.s32 $0x580, s17;
	s0 =	spop (v2sf)  }
0xc8: {  	[tilespmem:s20], [sflag:$0x1] =	stream.linear.gather [hbm4b:s21+s2], $0x21, $0x38;
	(v2sf) =	vpush v1, $0x9;
	[tilespmem:$0x10400] =	vst v63  }
0xc9: {  	s25 =	sand.u32 $0x1FFFFFF0, s22;
	s0 =	sand.u32 $0x1FFFFFF0, s0;
	s20 =	spop (v2sf)  }
0xca: {  	[tilespmem:s23], [sflag:$0x1] =	stream.strided.gather [hbm4b:s24+s9], $0x0, s10, s9, $0x38;
	(v2sf) =	vpush v0, $0xA;
	[tilespmem:$0x10400] =	vst v63  }
0xcb: {  	s1 =	sadd.s32 s4, s1;
	s21 =	sadd.s32 $0x5A8, s17;
	s26 =	spop (v2sf)  }
0xcc: {  	[tilespmem:s23], [sflag:$0x1] =	stream.linear.gather [hbm4b:s24+s2], $0x21, $0x38;
	(v2sf) =	vpush v1, $0xA;
	[tilespmem:$0x10400] =	vst v63  }
0xcd: {  	s22 =	sand.u32 $0x1FFFFFF0, s20;
	s20 =	sand.u32 $0x1FFFFFF0, s26;
	s23 =	spop (v2sf)  }
0xce: {  	[tilespmem:s21], [sflag:$0x1] =	stream.strided.gather [hbm4b:s1+s9], $0x0, s10, s9, $0x38;
	(v2sf) =	vpush v0, $0xB;
	[tilespmem:$0x10400] =	vst v63  }
0xcf: {  	s24 =	sadd.s32 $0x600, s17;
	s26 =	sadd.s32 s3, s18;
	s18 =	spop (v2sf)  }
0xd0: {  	[tilespmem:s21], [sflag:$0x1] =	stream.linear.gather [hbm4b:s1+s2], $0x21, $0x38;
	(v2sf) =	vpush v1, $0xB;
	[tilespmem:$0x10400] =	vst v63  }
0xd1: {  	s21 =	sand.u32 $0x1FFFFFF0, s23;
	s18 =	sand.u32 $0x1FFFFFF0, s18;
	s1 =	spop (v2sf)  }
0xd2: {  	[tilespmem:s24], [sflag:$0x1] =	stream.strided.gather [hbm4b:s26+s9], $0x0, s10, s9, $0x38;
	(v2sf) =	vpush v0, $0xC;
	[tilespmem:$0x10400] =	vst v63  }
0xd3: {  	s28 =	sadd.s32 s4, s19;
	s23 =	sadd.s32 $0x628, s17;
	s29 =	spop (v2sf)  }
0xd4: {  	[tilespmem:s24], [sflag:$0x1] =	stream.linear.gather [hbm4b:s26+s2], $0x21, $0x38;
	(v2sf) =	vpush v1, $0xC;
	[tilespmem:$0x10400] =	vst v63  }
0xd5: {  	s19 =	sand.u32 $0x1FFFFFF0, s1;
	s30 =	sand.u32 $0x1FFFFFF0, s29;
	s1 =	spop (v2sf)  }
0xd6: {  	[tilespmem:s23], [sflag:$0x1] =	stream.strided.gather [hbm4b:s28+s9], $0x0, s10, s9, $0x38;
	(v2sf) =	vpush v0, $0xD;
	[tilespmem:$0x10400] =	vst v63  }
0xd7: {  	s25 =	sadd.s32 s3, s25;
	s24 =	sadd.s32 $0x680, s17;
	s26 =	spop (v2sf)  }
0xd8: {  	[tilespmem:s23], [sflag:$0x1] =	stream.linear.gather [hbm4b:s28+s2], $0x21, $0x38;
	(v2sf) =	vpush v1, $0xD;
	[tilespmem:$0x10400] =	vst v63  }
0xd9: {  	s1 =	sand.u32 $0x1FFFFFF0, s1;
	s29 =	sand.u32 $0x1FFFFFF0, s26;
	s23 =	spop (v2sf)  }
0xda: {  	[tilespmem:s24], [sflag:$0x1] =	stream.strided.gather [hbm4b:s25+s9], $0x0, s10, s9, $0x38;
	(v2sf) =	vpush v0, $0xE;
	[tilespmem:$0x10400] =	vst v63  }
0xdb: {  	s31 =	sadd.s32 s4, s0;
	s28 =	sadd.s32 $0x6A8, s17;
	s26 =	spop (v2sf)  }
0xdc: {  	[tilespmem:s24], [sflag:$0x1] =	stream.linear.gather [hbm4b:s25+s2], $0x21, $0x38;
	[tilespmem:$0x10400] =	vst v63  }
0xdd: {  	s0 =	sand.u32 $0x1FFFFFF0, s23;
	s26 =	sand.u32 $0x1FFFFFF0, s26;
	s23 =	spop (v2sf)  }
0xde: {  	[tilespmem:s28], [sflag:$0x1] =	stream.strided.gather [hbm4b:s31+s9], $0x0, s10, s9, $0x38;
	(v2sf) =	vpush v1, $0xE;
	[tilespmem:$0x10400] =	vst v63  }
0xdf: {  	s22 =	sadd.s32 s3, s22;
	s25 =	sadd.s32 $0x700, s17;
	s24 =	spop (v2sf)  }
0xe0: {  	[tilespmem:s28], [sflag:$0x1] =	stream.linear.gather [hbm4b:s31+s2], $0x21, $0x38;
	(v2sf) =	vpush v0, $0xF;
	[tilespmem:$0x10400] =	vst v63  }
0xe1: {  	s31 =	sand.u32 $0x1FFFFFF0, s23;
	s24 =	sand.u32 $0x1FFFFFF0, s24;
	s23 =	spop (v2sf)  }
0xe2: {  	[tilespmem:s25], [sflag:$0x1] =	stream.strided.gather [hbm4b:s22+s9], $0x0, s10, s9, $0x38;
	(v2sf) =	vpush v1, $0xF;
	[tilespmem:$0x10400] =	vst v63  }
0xe3: {  	s5 =	sadd.s32 $0x728, s17;
	s20 =	sadd.s32 s4, s20;
	s6 =	spop (v2sf)  }
0xe4: {  	[tilespmem:s25], [sflag:$0x1] =	stream.linear.gather [hbm4b:s22+s2], $0x21, $0x38;
	[tilespmem:$0x10400] =	vst v63  }
0xe5: {  	s28 =	sand.u32 $0x1FFFFFF0, s23;
	s23 =	sand.u32 $0x1FFFFFF0, s6;
	s6 =	spop (v2sf)  }
0xe6: {  	[tilespmem:s5], [sflag:$0x1] =	stream.strided.gather [hbm4b:s20+s9], $0x0, s10, s9, $0x38;
	[tilespmem:$0x10400] =	vst v63  }
0xe7: {  	s7 =	sadd.s32 $0x780, s17;
	s21 =	sadd.s32 s3, s21;
	s22 =	spop (v2sf)  }
0xe8: {  	[tilespmem:s5], [sflag:$0x1] =	stream.linear.gather [hbm4b:s20+s2], $0x21, $0x38;
	[tilespmem:$0x10400] =	vst v63  }
0xe9: {  	s25 =	sand.u32 $0x1FFFFFF0, s6;
	s22 =	sand.u32 $0x1FFFFFF0, s22;
	s5 =	spop (v2sf)  }
0xea: {  	[tilespmem:s7], [sflag:$0x1] =	stream.strided.gather [hbm4b:s21+s9], $0x0, s10, s9, $0x38;
	[tilespmem:$0x10400] =	vst v63  }
0xeb: {  	s18 =	sadd.s32 s4, s18;
	s6 =	sadd.s32 $0x7A8, s17;
	s20 =	sand.u32 $0x1FFFFFF0, s5  }
0xec: {  	[tilespmem:s7], [sflag:$0x1] =	stream.linear.gather [hbm4b:s21+s2], $0x21, $0x38;
	[tilespmem:$0x10400] =	vst v63  }
0xed: {  	s21 =	spop (v2sf)  }
0xee: {  	[tilespmem:s6], [sflag:$0x1] =	stream.strided.gather [hbm4b:s18+s9], $0x0, s10, s9, $0x38;
	[tilespmem:$0x10400] =	vst v63  }
0xef: {  	s5 =	sadd.s32 $0x800, s17;
	s7 =	sadd.s32 s3, s19;
	s19 =	spop (v2sf)  }
0xf0: {  	[tilespmem:s6], [sflag:$0x1] =	stream.linear.gather [hbm4b:s18+s2], $0x21, $0x38;
	[tilespmem:$0x10400] =	vst v63  }
0xf1: {  	s19 =	sand.u32 $0x1FFFFFF0, s19;
	s18 =	spop (v2sf)  }
0xf2: {  	[tilespmem:s5], [sflag:$0x1] =	stream.strided.gather [hbm4b:s7+s9], $0x0, s10, s9, $0x38;
	[tilespmem:$0x10400] =	vst v63  }
0xf3: {  	s30 =	sadd.s32 s4, s30;
	s6 =	sadd.s32 $0x828, s17  }
0xf4: {  	[tilespmem:s5], [sflag:$0x1] =	stream.linear.gather [hbm4b:s7+s2], $0x21, $0x38;
	[tilespmem:$0x10400] =	vst v63  }
0xf5: {  	_ = 	snop  }
0xf6: {  	[tilespmem:s6], [sflag:$0x1] =	stream.strided.gather [hbm4b:s30+s9], $0x0, s10, s9, $0x38;
	[tilespmem:$0x10400] =	vst v63  }
0xf7: {  	s1 =	sadd.s32 s3, s1;
	s5 =	sadd.s32 $0x880, s17  }
0xf8: {  	[tilespmem:s6], [sflag:$0x1] =	stream.linear.gather [hbm4b:s30+s2], $0x21, $0x38;
	[tilespmem:$0x10400] =	vst v63  }
0xf9: {  	_ = 	snop  }
0xfa: {  	[tilespmem:s5], [sflag:$0x1] =	stream.strided.gather [hbm4b:s1+s9], $0x0, s10, s9, $0x38;
	[tilespmem:$0x10400] =	vst v63  }
0xfb: {  	s7 =	sadd.s32 s4, s29;
	s6 =	sadd.s32 $0x8A8, s17  }
0xfc: {  	[tilespmem:s5], [sflag:$0x1] =	stream.linear.gather [hbm4b:s1+s2], $0x21, $0x38;
	[tilespmem:$0x10400] =	vst v63  }
0xfd: {  	_ = 	snop  }
0xfe: {  	[tilespmem:s6], [sflag:$0x1] =	stream.strided.gather [hbm4b:s7+s9], $0x0, s10, s9, $0x38;
	[tilespmem:$0x10400] =	vst v63  }
0xff: {  	s0 =	sadd.s32 s3, s0;
	s1 =	sadd.s32 $0x900, s17  }
0x100: {  	[tilespmem:s6], [sflag:$0x1] =	stream.linear.gather [hbm4b:s7+s2], $0x21, $0x38;
	[tilespmem:$0x10400] =	vst v63  }
0x101: {  	_ = 	snop  }
0x102: {  	[tilespmem:s1], [sflag:$0x1] =	stream.strided.gather [hbm4b:s0+s9], $0x0, s10, s9, $0x38;
	[tilespmem:$0x10400] =	vst v63  }
0x103: {  	s5 =	sadd.s32 $0x928, s17;
	s6 =	sadd.s32 s4, s26  }
0x104: {  	[tilespmem:s1], [sflag:$0x1] =	stream.linear.gather [hbm4b:s0+s2], $0x21, $0x38;
	[tilespmem:$0x10400] =	vst v63  }
0x105: {  	_ = 	snop  }
0x106: {  	[tilespmem:s5], [sflag:$0x1] =	stream.strided.gather [hbm4b:s6+s9], $0x0, s10, s9, $0x38;
	[tilespmem:$0x10400] =	vst v63  }
0x107: {  	s0 =	sadd.s32 $0x980, s17;
	s1 =	sadd.s32 s3, s31  }
0x108: {  	[tilespmem:s5], [sflag:$0x1] =	stream.linear.gather [hbm4b:s6+s2], $0x21, $0x38;
	[tilespmem:$0x10400] =	vst v63  }
0x109: {  	_ = 	snop  }
0x10a: {  	[tilespmem:s0], [sflag:$0x1] =	stream.strided.gather [hbm4b:s1+s9], $0x0, s10, s9, $0x38;
	[tilespmem:$0x10400] =	vst v63  }
0x10b: {  	s5 =	sadd.s32 $0x9A8, s17;
	s6 =	sadd.s32 s4, s24  }
0x10c: {  	[tilespmem:s0], [sflag:$0x1] =	stream.linear.gather [hbm4b:s1+s2], $0x21, $0x38;
	[tilespmem:$0x10400] =	vst v63  }
0x10d: {  	_ = 	snop  }
0x10e: {  	[tilespmem:s5], [sflag:$0x1] =	stream.strided.gather [hbm4b:s6+s9], $0x0, s10, s9, $0x38;
	[tilespmem:$0x10400] =	vst v63  }
0x10f: {  	s0 =	sadd.s32 $0xA00, s17;
	s1 =	sadd.s32 s3, s28  }
0x110: {  	[tilespmem:s5], [sflag:$0x1] =	stream.linear.gather [hbm4b:s6+s2], $0x21, $0x38;
	[tilespmem:$0x10400] =	vst v63  }
0x111: {  	_ = 	snop  }
0x112: {  	[tilespmem:s0], [sflag:$0x1] =	stream.strided.gather [hbm4b:s1+s9], $0x0, s10, s9, $0x38;
	[tilespmem:$0x10400] =	vst v63  }
0x113: {  	s5 =	sadd.s32 $0xA28, s17;
	s6 =	sadd.s32 s4, s23  }
0x114: {  	[tilespmem:s0], [sflag:$0x1] =	stream.linear.gather [hbm4b:s1+s2], $0x21, $0x38;
	[tilespmem:$0x10400] =	vst v63  }
0x115: {  	_ = 	snop  }
0x116: {  	[tilespmem:s5], [sflag:$0x1] =	stream.strided.gather [hbm4b:s6+s9], $0x0, s10, s9, $0x38;
	[tilespmem:$0x10400] =	vst v63  }
0x117: {  	s0 =	sadd.s32 $0xA80, s17;
	s1 =	sadd.s32 s3, s25  }
0x118: {  	[tilespmem:s5], [sflag:$0x1] =	stream.linear.gather [hbm4b:s6+s2], $0x21, $0x38;
	[tilespmem:$0x10400] =	vst v63  }
0x119: {  	_ = 	snop  }
0x11a: {  	[tilespmem:s0], [sflag:$0x1] =	stream.strided.gather [hbm4b:s1+s9], $0x0, s10, s9, $0x38;
	[tilespmem:$0x10400] =	vst v63  }
0x11b: {  	s5 =	sadd.s32 $0xAA8, s17;
	s6 =	sadd.s32 s4, s22  }
0x11c: {  	[tilespmem:s0], [sflag:$0x1] =	stream.linear.gather [hbm4b:s1+s2], $0x21, $0x38;
	[tilespmem:$0x10400] =	vst v63  }
0x11d: {  	_ = 	snop  }
0x11e: {  	[tilespmem:s5], [sflag:$0x1] =	stream.strided.gather [hbm4b:s6+s9], $0x0, s10, s9, $0x38;
	[tilespmem:$0x10400] =	vst v63  }
0x11f: {  	s0 =	sadd.s32 $0xB00, s17;
	s1 =	sadd.s32 s3, s20  }
0x120: {  	[tilespmem:s5], [sflag:$0x1] =	stream.linear.gather [hbm4b:s6+s2], $0x21, $0x38;
	[tilespmem:$0x10400] =	vst v63  }
0x121: {  	s5 =	sand.u32 $0x1FFFFFF0, s21  }
0x122: {  	[tilespmem:s0], [sflag:$0x1] =	stream.strided.gather [hbm4b:s1+s9], $0x0, s10, s9, $0x38;
	[tilespmem:$0x10400] =	vst v63  }
0x123: {  	s6 =	sadd.s32 $0xB28, s17;
	s5 =	sadd.s32 s4, s5  }
0x124: {  	[tilespmem:s0], [sflag:$0x1] =	stream.linear.gather [hbm4b:s1+s2], $0x21, $0x38;
	[tilespmem:$0x10400] =	vst v63  }
0x125: {  	_ = 	snop  }
0x126: {  	[tilespmem:s6], [sflag:$0x1] =	stream.strided.gather [hbm4b:s5+s9], $0x0, s10, s9, $0x38;
	[tilespmem:$0x10400] =	vst v63  }
0x127: {  	s19 =	sadd.s32 s3, s19;
	s7 =	sadd.s32 $0xB80, s17  }
0x128: {  	[tilespmem:s6], [sflag:$0x1] =	stream.linear.gather [hbm4b:s5+s2], $0x21, $0x38;
	[tilespmem:$0x10400] =	vst v63  }
0x129: {  	s1 =	sand.u32 $0x1FFFFFF0, s18  }
0x12a: {  	[tilespmem:s7], [sflag:$0x1] =	stream.strided.gather [hbm4b:s19+s9], $0x0, s10, s9, $0x38;
	[tilespmem:$0x10400] =	vst v63  }
.Ltmp0:
0x12b: {  	_ = 	snop;
	(pc) =	sbr.rel @p0 .LBB2_2-.Ltmp0, $4  }
0x12c: {  	s0 =	sadd.s32 $0xBA8, s17;
	s1 =	sadd.s32 s4, s1  }
0x12d: {  	[tilespmem:s7], [sflag:$0x1] =	stream.linear.gather [hbm4b:s19+s2], $0x21, $0x38;
	[tilespmem:$0x10400] =	vst v63  }
0x12e: {  	_ = 	snop  }
0x12f: {  	[tilespmem:s0], [sflag:$0x1] =	stream.strided.gather [hbm4b:s1+s9], $0x0, s10, s9, $0x38;
	[tilespmem:$0x10400] =	vst v63  }
0x130: {  	[tilespmem:s0], [sflag:$0x1] =	stream.linear.gather [hbm4b:s1+s2], $0x21, $0x38;
	[tilespmem:$0x10400] =	vst v63  }
0x131: {  	s13 =	sadd.s32 $0x1, s13;
	_ =	swait.ge [sflag:s12], $0x8400  }
0x132: {  	p0 =	sne.s32 s13, s8;
	[sflag:s12] =	ssyncset.done $0x0  }
.Ltmp1:
0x133: {  	s31 =	rddreg [dreg:$0x6];
	[sflag:s12] =	ssyncadd.s32 $0xFFFF7C00;
	(pc) =	sbr.rel @p0 .LBB2_1-.Ltmp1, $4  }
0x134: {  	[hbm4b:s31+s2] =	stream.linear.scatter [tilespmem:s10], [sflag:$0x2], $0x10000, $0x38;
	[tilespmem:$0x10400] =	vst v63  }
0x135: {  	_ =	swait.ge [sflag:s11], $0x10000  }
0x136: {  	[sflag:s11] =	ssyncset.done $0x0  }
0x137: {  	[sflag:s11] =	ssyncadd.s32 $0xFFFF0000  }
0x138: {  	_ =	sfence.sel $0x180000  }
0x139: {  	[bflag:$0x0] =	sbarrier.arrive $0xFFFF  }
0x13a: {  	_ =	strace $0x90000047  }
0x13b: {  	s0 =	stileid.u32;
	[bflag:$0x2] =	sbarrier.arrive $0xFFFF  }
0x13c: {  	p0 =	sne.s32 s0, $0x0;
	s0 =	rddreg [dreg:$0x3]  }
0x13d: {  	s0 =	sadd.s32 @!p0 $0x100000, s0  }
0x13e: {  	[sflag:s0] =	ssyncadd.tile.s32 @!p0 $0x1;
	_ =	shalt  }
.Lfunc_end2:
_tile_overlayer_lowered:
.L_overlay_start_2:
0x13f: {  	(tag) =	ssettag $0x2  }
0x140: {  	s0 =	rddreg [dreg:$0x0];
	s2 =	stileid.u32  }
0x141: {  	s1 =	rddreg [dreg:$0x1];
	p0 =	sne.s32 s2, $0x0  }
0x142: {  	s3 =	rddreg [dreg:$0x2];
	[bflag:$0x3] =	sbarrier.arrive $0xFFFF;
	s2 =	simm.s32 @!p0 $0x1C02  }
0x143: {  	[timem:s3], [sflag:s2] =	dma.local @!p0 [hbm:s0], s1  }
0x144: {  	s0 =	simm.s32 @!p0 $0x2  }
0x145: {  	_ =	swait.ge @!p0 [sflag:s0], s1  }
0x146: {  	s1 =	ssub.s32 @!p0 $0x0, s1;
	[sflag:s0] =	ssyncset.done @!p0 $0x0  }
0x147: {  	[sflag:s0] =	ssyncadd.s32 @!p0 s1  }
0x148: {  	[bflag:$0x3] =	sbarrier.arrive $0xFFFF  }
0x149: {  	_ =	shalt  }

</sc_bundles>
